<compile_context>
chip_gen: v7x
topology: tpu7x:2x2x1
jax: 0.10.2.dev20260603
libtpu: 0.0.44.dev20260713+nightly
codegen_flags: <defaults>
</compile_context>

<pallas_src>
import functools

import jax
import jax.numpy as jnp
from jax import lax
from jax.experimental import pallas as pl
from jax.experimental.pallas import tpu as pltpu
from jax.experimental.pallas import tpu_sc as plsc

EPS = 1e-5
LAMDA = 1.0


def _sc_gather(table, idx_flat):
    info = plsc.get_sparse_core_info()
    nw = info.num_cores * info.num_subcores
    m, d = idx_flat.shape[0], table.shape[1]
    per_w = m // nw
    chunk = 2048
    n_ch = per_w // chunk
    mesh = plsc.VectorSubcoreMesh(core_axis_name="c", subcore_axis_name="s")

    @functools.partial(
        pl.kernel, mesh=mesh,
        compiler_params=pltpu.CompilerParams(use_tc_tiling_on_sc=False),
        out_type=jax.ShapeDtypeStruct((m, d), jnp.float32),
        scratch_types=[
            pltpu.VMEM((chunk,), jnp.int32),
            pltpu.VMEM((chunk, d), jnp.float32),
            pltpu.SemaphoreType.DMA,
        ],
    )
    def k(table_hbm, idx_hbm, out_hbm, idx_v, rows_v, sem):
        wid = lax.axis_index("s") * info.num_cores + lax.axis_index("c")
        base = wid * per_w

        def body(i, carry):
            off = base + i * chunk
            pltpu.sync_copy(idx_hbm.at[pl.ds(off, chunk)], idx_v)
            pltpu.async_copy(table_hbm.at[idx_v], rows_v, sem).wait()
            pltpu.sync_copy(rows_v, out_hbm.at[pl.ds(off, chunk)])
            return carry

        lax.fori_loop(0, n_ch, body, 0)

    return k(table, idx_flat)


def _mm(x, w):
    return jnp.dot(x, w.T, preferred_element_type=jnp.float32)


def _mm3(x, w):
    s = x.shape
    y = jnp.dot(x.reshape(s[0] * s[1], s[2]), w.T,
                preferred_element_type=jnp.float32)
    return y.reshape(s[0], s[1], w.shape[0])


def _stat2(y):
    axes = tuple(range(y.ndim - 1))
    s = jnp.sum(y, axis=axes)
    q = jnp.sum(y * y, axis=axes)
    z = jnp.zeros((6, y.shape[-1]), jnp.float32)
    return jnp.concatenate([s[None], q[None], z], axis=0)


def _bn_apply(y, pack, relu=True):
    sc = pack[0:1]
    sh = pack[1:2]
    if y.ndim == 3:
        sc, sh = sc[None], sh[None]
    y = y * sc + sh
    return jnp.maximum(y, 0.0) if relu else y


def _finalize(st, gamma, beta, cnt):
    m = st[0] / cnt
    v = st[1] / cnt - m * m
    sc = gamma / jnp.sqrt(v + EPS)
    sh = beta - m * sc
    return jnp.concatenate(
        [sc[None], sh[None], jnp.zeros((6, sc.shape[0]), jnp.float32)], 0)


def _acc(ref, val):
    @pl.when(pl.program_id(0) == 0)
    def _():
        ref[...] = jnp.zeros_like(ref)
    ref[...] += val


def _full(shape):
    nd = len(shape)
    return pl.BlockSpec(shape, lambda g: (0,) * nd)


def _rows(shape):
    nd = len(shape)
    return pl.BlockSpec(shape, lambda g: (g,) + (0,) * (nd - 1))


def _k1(feat2, w_m1, ch, grid):
    def body(f_ref, w_ref, y_ref, st_ref):
        y = _mm(f_ref[...], w_ref[...])
        y_ref[...] = y
        _acc(st_ref, _stat2(y))

    r = feat2.shape[0]
    return pl.pallas_call(
        body,
        grid=(grid,),
        in_specs=[_rows((ch, 8)), _full((8, 8))],
        out_specs=[_rows((ch, 8)), _full((8, 8))],
        out_shape=[jax.ShapeDtypeStruct((r, 8), jnp.float32),
                   jax.ShapeDtypeStruct((8, 8), jnp.float32)],
    )(feat2, w_m1)


def _k2(y_m1, xyzp, bn1, ch, grid):
    def body(y_ref, x_ref, b_ref, t_ref):
        f_pc = _bn_apply(y_ref[...], b_ref[...])
        t_ref[...] = jnp.concatenate(
            [x_ref[...][:, 0:3], f_pc,
             jnp.zeros((y_ref.shape[0], 5), jnp.float32)], axis=1)

    r = y_m1.shape[0]
    return pl.pallas_call(
        body,
        grid=(grid,),
        in_specs=[_rows((ch, 8)), _rows((ch, 4)), _full((8, 8))],
        out_specs=_rows((ch, 16)),
        out_shape=jax.ShapeDtypeStruct((r, 16), jnp.float32),
    )(y_m1, xyzp, bn1)


def _k3(g1, table1, w_lc1, ch, grid, kk):
    def body(g_ref, t_ref, w_ref, y_ref, gd_ref, fd_ref, ms_ref, st_ref):
        g = g_ref[...]
        t = t_ref[...]
        c_xyz = t[:, 0:3]
        f_pc = t[:, 3:11]
        n_xyz = g[:, :, 0:3]
        fn1 = g[:, :, 3:11]
        rel = c_xyz[:, None, :] - n_xyz
        rel_a = jnp.arctan2(rel[:, :, 1], rel[:, :, 0])
        rel_xyd = jnp.sqrt(rel[:, :, 0] ** 2 + rel[:, :, 1] ** 2)
        rel_b = jnp.arctan2(rel[:, :, 2], rel_xyd)
        rel_dis = jnp.sqrt(jnp.sum(rel * rel, axis=2))
        gd_ref[...] = jnp.exp(-rel_dis)
        lv = jnp.max(rel_dis, axis=1, keepdims=True) ** 3
        nm = jnp.mean(n_xyz, axis=1)
        dv = c_xyz - nm
        dir_a = jnp.arctan2(dv[:, 1], dv[:, 0])[:, None]
        dir_b = jnp.arctan2(dv[:, 2],
                            jnp.sqrt(dv[:, 0] ** 2 + dv[:, 1] ** 2))[:, None]
        feats = [rel_a - dir_a, rel_b - dir_b, rel_dis,
                 jnp.broadcast_to(c_xyz[:, None, 0], rel_dis.shape),
                 jnp.broadcast_to(c_xyz[:, None, 1], rel_dis.shape),
                 jnp.broadcast_to(c_xyz[:, None, 2], rel_dis.shape),
                 n_xyz[:, :, 0], n_xyz[:, :, 1], n_xyz[:, :, 2]]
        w = w_ref[...]
        y = jnp.zeros(rel_dis.shape + (8,), jnp.float32)
        for j in range(9):
            y = y + feats[j][:, :, None] * w[:, j][None, None, :]
        y_ref[...] = y
        _acc(st_ref, _stat2(y))
        d = jnp.abs(f_pc[:, None, :] - fn1)
        fd_ref[...] = jnp.exp(-jnp.mean(d, axis=2))
        gv = jnp.sqrt(jnp.sum(c_xyz * c_xyz, axis=1, keepdims=True)) ** 3
        ratio = lv / gv
        ms_ref[...] = jnp.concatenate(
            [ratio, jnp.zeros((ratio.shape[0], 7), jnp.float32)], axis=1)

    r = table1.shape[0]
    return pl.pallas_call(
        body,
        grid=(grid,),
        in_specs=[_rows((ch, kk, 16)), _rows((ch, 16)), _full((8, 9))],
        out_specs=[_rows((ch, kk, 8)), _rows((ch, kk)), _rows((ch, kk)),
                   _rows((ch, 8)), _full((8, 8))],
        out_shape=[jax.ShapeDtypeStruct((r, kk, 8), jnp.float32),
                   jax.ShapeDtypeStruct((r, kk), jnp.float32),
                   jax.ShapeDtypeStruct((r, kk), jnp.float32),
                   jax.ShapeDtypeStruct((r, 8), jnp.float32),
                   jax.ShapeDtypeStruct((8, 8), jnp.float32)],
    )(g1, table1, w_lc1)


def _att_pool(fn, lr, gd, fd, w_fc):
    att = (gd[:, :, None] * w_fc[:, 0][None, None, :]
           + (fd * LAMDA)[:, :, None] * w_fc[:, 1][None, None, :]
           + _mm3(fn, w_fc[:, 2:10]) + _mm3(lr, w_fc[:, 10:18]))
    att = att - jnp.max(att, axis=1, keepdims=True)
    e = jnp.exp(att)
    att = e / jnp.sum(e, axis=1, keepdims=True)
    fs = jnp.concatenate([fn, lr], axis=2)
    return jnp.sum(fs * att, axis=1)


def _k4(y_lc1, g1, gd, fd, bn_lc1, w_fc, w_mlp, w_lc2, ch, grid, kk):
    def body(y_ref, g_ref, gd_ref, fd_ref, b_ref, wf_ref, wm_ref, wl_ref,
             yp_ref, yl2_ref, stp_ref, stl_ref):
        lr1 = _bn_apply(y_ref[...], b_ref[...])
        fn1 = g_ref[...][:, :, 3:11]
        pooled = _att_pool(fn1, lr1, gd_ref[...], fd_ref[...], wf_ref[...])
        y_p1 = _mm(pooled, wm_ref[...])
        yp_ref[...] = y_p1
        _acc(stp_ref, _stat2(y_p1))
        y_lc2 = _mm3(lr1, wl_ref[...])
        yl2_ref[...] = y_lc2
        _acc(stl_ref, _stat2(y_lc2))

    r = y_lc1.shape[0]
    return pl.pallas_call(
        body,
        grid=(grid,),
        in_specs=[_rows((ch, kk, 8)), _rows((ch, kk, 16)), _rows((ch, kk)),
                  _rows((ch, kk)), _full((8, 8)), _full((16, 18)),
                  _full((8, 16)), _full((8, 8))],
        out_specs=[_rows((ch, 8)), _rows((ch, kk, 8)),
                   _full((8, 8)), _full((8, 8))],
        out_shape=[jax.ShapeDtypeStruct((r, 8), jnp.float32),
                   jax.ShapeDtypeStruct((r, kk, 8), jnp.float32),
                   jax.ShapeDtypeStruct((8, 8), jnp.float32),
                   jax.ShapeDtypeStruct((8, 8), jnp.float32)],
    )(y_lc1, g1, gd, fd, bn_lc1, w_fc, w_mlp, w_lc2)


def _k5(y_p1, bn_p1, ch, grid):
    def body(y_ref, b_ref, t_ref):
        f = _bn_apply(y_ref[...], b_ref[...])
        t_ref[...] = jnp.concatenate(
            [f, jnp.zeros((f.shape[0], 8), jnp.float32)], axis=1)

    r = y_p1.shape[0]
    return pl.pallas_call(
        body,
        grid=(grid,),
        in_specs=[_rows((ch, 8)), _full((8, 8))],
        out_specs=_rows((ch, 16)),
        out_shape=jax.ShapeDtypeStruct((r, 16), jnp.float32),
    )(y_p1, bn_p1)


def _k6(g2, table2, y_lc2, bn_lc2, gd, w_fc, w_mlp, ch, grid, kk):
    def body(g_ref, t_ref, y_ref, b_ref, gd_ref, wf_ref, wm_ref,
             yp_ref, st_ref):
        lr2 = _bn_apply(y_ref[...], b_ref[...])
        fn2 = g_ref[...][:, :, 0:8]
        f_lc1 = t_ref[...][:, 0:8]
        d = jnp.abs(f_lc1[:, None, :] - fn2)
        fd2 = jnp.exp(-jnp.mean(d, axis=2))
        pooled = _att_pool(fn2, lr2, gd_ref[...], fd2, wf_ref[...])
        y_p2 = _mm(pooled, wm_ref[...])
        yp_ref[...] = y_p2
        _acc(st_ref, _stat2(y_p2))

    r = table2.shape[0]
    return pl.pallas_call(
        body,
        grid=(grid,),
        in_specs=[_rows((ch, kk, 16)), _rows((ch, 16)), _rows((ch, kk, 8)),
                  _full((8, 8)), _rows((ch, kk)), _full((16, 18)),
                  _full((16, 16))],
        out_specs=[_rows((ch, 16)), _full((8, 16))],
        out_shape=[jax.ShapeDtypeStruct((r, 16), jnp.float32),
                   jax.ShapeDtypeStruct((8, 16), jnp.float32)],
    )(g2, table2, y_lc2, bn_lc2, gd, w_fc, w_mlp)


def _k7(y_p2, bn_p2, feat2, xyzp, misc, w_m2, w_sc, w_m3, ch, grid):
    def body(y_ref, b_ref, f_ref, x_ref, m_ref, w2_ref, ws_ref, w3_ref,
             ym2_ref, ysc_ref, ym3_ref, s2_ref, ss_ref, s3_ref):
        f_lc = _bn_apply(y_ref[...], b_ref[...])
        y_m2 = _mm(f_lc, w2_ref[...])
        ym2_ref[...] = y_m2
        _acc(s2_ref, _stat2(y_m2))
        y_sc = _mm(f_ref[...], ws_ref[...])
        ysc_ref[...] = y_sc
        _acc(ss_ref, _stat2(y_sc))
        gc_in = jnp.concatenate(
            [x_ref[...][:, 0:3], m_ref[...][:, 0:1]], axis=1)
        y_m3 = _mm(gc_in, w3_ref[...])
        ym3_ref[...] = y_m3
        _acc(s3_ref, _stat2(y_m3))

    r = y_p2.shape[0]
    return pl.pallas_call(
        body,
        grid=(grid,),
        in_specs=[_rows((ch, 16)), _full((8, 16)), _rows((ch, 8)),
                  _rows((ch, 4)), _rows((ch, 8)), _full((32, 16)),
                  _full((32, 8)), _full((32, 4))],
        out_specs=[_rows((ch, 32)), _rows((ch, 32)), _rows((ch, 32)),
                   _full((8, 32)), _full((8, 32)), _full((8, 32))],
        out_shape=[jax.ShapeDtypeStruct((r, 32), jnp.float32)] * 3
        + [jax.ShapeDtypeStruct((8, 32), jnp.float32)] * 3,
    )(y_p2, bn_p2, feat2, xyzp, misc, w_m2, w_sc, w_m3)


def _k8(y_m2, y_sc, y_m3, bn_m2, bn_sc, bn_m3, w_m4, ch, grid):
    def body(a_ref, b_ref, c_ref, ba_ref, bb_ref, bc_ref, w_ref,
             y_ref, st_ref):
        a = _bn_apply(a_ref[...], ba_ref[...], relu=False)
        b = _bn_apply(b_ref[...], bb_ref[...], relu=False)
        c = _bn_apply(c_ref[...], bc_ref[...], relu=False)
        h = jnp.concatenate([a + b, c], axis=1)
        y = _mm(h, w_ref[...])
        y_ref[...] = y
        _acc(st_ref, _stat2(y))

    r = y_m2.shape[0]
    return pl.pallas_call(
        body,
        grid=(grid,),
        in_specs=[_rows((ch, 32))] * 3 + [_full((8, 32))] * 3
        + [_full((32, 64))],
        out_specs=[_rows((ch, 32)), _full((8, 32))],
        out_shape=[jax.ShapeDtypeStruct((r, 32), jnp.float32),
                   jax.ShapeDtypeStruct((8, 32), jnp.float32)],
    )(y_m2, y_sc, y_m3, bn_m2, bn_sc, bn_m3, w_m4)


def _k9(y_m4, bn_m4, ch, grid):
    def body(y_ref, b_ref, o_ref):
        o_ref[...] = _bn_apply(y_ref[...], b_ref[...])

    r = y_m4.shape[0]
    return pl.pallas_call(
        body,
        grid=(grid,),
        in_specs=[_rows((ch, 32)), _full((8, 32))],
        out_specs=_rows((ch, 32)),
        out_shape=jax.ShapeDtypeStruct((r, 32), jnp.float32),
    )(y_m4, bn_m4)


def kernel(feature, xyz, neigh_idx, params):
    p = params
    b, c_in, n, _ = feature.shape
    kk = neigh_idx.shape[-1]
    r = b * n
    m = r * kk
    ch = 4096
    grid = r // ch
    ch_k = 256
    grid_k = r // ch_k

    feat2 = feature[..., 0].transpose(0, 2, 1).reshape(r, c_in)
    xyzp = jnp.concatenate(
        [xyz, jnp.zeros((b, n, 1), jnp.float32)], axis=-1).reshape(r, 4)
    idx_flat = (neigh_idx.astype(jnp.int32)
                + (jnp.arange(b, dtype=jnp.int32) * n)[:, None, None]
                ).reshape(m)

    y_m1, st1 = _k1(feat2, p['W_m1'], ch, grid)
    bn1 = _finalize(st1, p['g_m1'], p['b_m1'], r)
    table1 = _k2(y_m1, xyzp, bn1, ch, grid)

    g1 = _sc_gather(table1, idx_flat).reshape(r, kk, 16)

    y_lc1, gd, fd1, misc, st_lc1 = _k3(g1, table1, p['W_lc1'], ch_k,
                                       grid_k, kk)
    bn_lc1 = _finalize(st_lc1, p['g_lc1'], p['b_lc1'], r * kk)

    y_p1, y_lc2, st_p1, st_lc2 = _k4(
        y_lc1, g1, gd, fd1, bn_lc1, p['W_p1_fc'], p['W_p1_mlp'],
        p['W_lc2'], ch_k, grid_k, kk)
    bn_p1 = _finalize(st_p1, p['g_p1'], p['b_p1'], r)
    bn_lc2 = _finalize(st_lc2, p['g_lc2'], p['b_lc2'], r * kk)

    table2 = _k5(y_p1, bn_p1, ch, grid)
    g2 = _sc_gather(table2, idx_flat).reshape(r, kk, 16)

    y_p2, st_p2 = _k6(g2, table2, y_lc2, bn_lc2, gd, p['W_p2_fc'],
                      p['W_p2_mlp'], ch_k, grid_k, kk)
    bn_p2 = _finalize(st_p2, p['g_p2'], p['b_p2'], r)

    y_m2, y_sc, y_m3, st_m2, st_sc, st_m3 = _k7(
        y_p2, bn_p2, feat2, xyzp, misc, p['W_m2'], p['W_sc'], p['W_m3'],
        ch, grid)
    bn_m2 = _finalize(st_m2, p['g_m2'], p['b_m2'], r)
    bn_sc = _finalize(st_sc, p['g_sc'], p['b_sc'], r)
    bn_m3 = _finalize(st_m3, p['g_m3'], p['b_m3'], r)

    y_m4, st_m4 = _k8(y_m2, y_sc, y_m3, bn_m2, bn_sc, bn_m3, p['W_m4'],
                      ch, grid)
    bn_m4 = _finalize(st_m4, p['g_m4'], p['b_m4'], r)

    out = _k9(y_m4, bn_m4, ch, grid)
    return out.reshape(b, n, 32).transpose(0, 2, 1)[..., None]

# --- scband reference (transcript-rebuilt; emitter-appended) ---
"""Pipeline reference for scband-lfa-72464688218277 (READ-ONLY COPY).

The authoritative reference and input builder live on the scoring server;
editing this copy changes nothing except your own understanding.
"""

import jax, jax.numpy as jnp
import numpy as np

EPS = 1e-5
LAMDA = 1.0  # config.lfa_param

def conv_bn(x, W, gamma, beta, relu=True):
    # 1x1 Conv2d (bias=False) + BatchNorm2d (training-mode batch stats) + optional ReLU
    y = jnp.einsum('oi,bihw->bohw', W, x)
    m = jnp.mean(y, axis=(0, 2, 3), keepdims=True)
    v = jnp.var(y, axis=(0, 2, 3), keepdims=True)
    y = (y - m) / jnp.sqrt(v + EPS)
    y = y * gamma.reshape(1, -1, 1, 1) + beta.reshape(1, -1, 1, 1)
    return jax.nn.relu(y) if relu else y

def gather_neighbour(pc, idx):
    # pc [B,N,d], idx [B,N,K] -> [B,N,K,d]
    return jax.vmap(lambda p, i: p[i])(pc, idx)

def cal_feature_dis(feature, f_neighbours):
    # feature [B,d,N], f_neighbours [B,d,N,K] -> [B,1,N,K]
    d = jnp.abs(feature[..., None] - f_neighbours)
    return jnp.exp(-jnp.mean(d, axis=1, keepdims=True))

def dualdis_att_pool(feature_set, f_dis, g_dis, W_fc, W_mlp, g_mlp, b_mlp):
    f_dis = f_dis * LAMDA
    concat = jnp.concatenate([g_dis, f_dis, feature_set], axis=1)
    att = jnp.einsum('oi,bihw->bohw', W_fc, concat)
    att = jax.nn.softmax(att, axis=3)
    f_lc = jnp.sum(feature_set * att, axis=-1, keepdims=True)
    return conv_bn(f_lc, W_mlp, g_mlp, b_mlp, relu=True)

def local_polar_representation(xyz, neigh_idx):
    neighbor_xyz = gather_neighbour(xyz, neigh_idx)  # [B,N,K,3]
    xyz_tile = jnp.broadcast_to(xyz[:, :, None, :], neighbor_xyz.shape)
    rel = xyz_tile - neighbor_xyz
    rel_alpha = jnp.arctan2(rel[..., 1], rel[..., 0])[..., None]
    rel_xyd = jnp.sqrt(jnp.sum(rel[..., :2] ** 2, axis=-1))
    rel_beta = jnp.arctan2(rel[..., 2], rel_xyd)[..., None]
    rel_dis = jnp.sqrt(jnp.sum(rel ** 2, axis=-1, keepdims=True))
    rel_info = jnp.concatenate([rel_dis, xyz_tile, neighbor_xyz], axis=-1)
    exp_dis = jnp.exp(-rel_dis)
    local_volume = jnp.max(jnp.max(rel_dis, axis=-1), axis=-1) ** 3  # [B,N]
    neighbor_mean = jnp.mean(neighbor_xyz, axis=-2)
    direction = xyz - neighbor_mean
    dt = jnp.broadcast_to(direction[:, :, None, :], neighbor_xyz.shape)
    dir_alpha = jnp.arctan2(dt[..., 1], dt[..., 0])[..., None]
    dir_xyd = jnp.sqrt(jnp.sum(dt[..., :2] ** 2, axis=-1))
    dir_beta = jnp.arctan2(dt[..., 2], dir_xyd)[..., None]
    angle = jnp.concatenate([rel_alpha - dir_alpha, rel_beta - dir_beta], axis=-1)
    local_rep = jnp.concatenate([angle, rel_info], axis=-1)  # [B,N,K,9]
    global_dis = jnp.sqrt(jnp.sum(xyz ** 2, axis=-1, keepdims=True))  # [B,N,1]
    global_volume = jnp.max(global_dis, axis=-1) ** 3  # [B,N]
    lg_volume_ratio = (local_volume / global_volume)[..., None]  # [B,N,1]
    return local_rep, exp_dis, lg_volume_ratio

def local_context_learning(xyz, feature, neigh_idx, p):
    local_rep, g_dis, lg_ratio = local_polar_representation(xyz, neigh_idx)
    g_dis = jnp.transpose(g_dis, (0, 3, 1, 2))  # [B,1,N,K]
    local_rep = conv_bn(jnp.transpose(local_rep, (0, 3, 1, 2)), p['W_lc1'], p['g_lc1'], p['b_lc1'])
    f_bnd = jnp.transpose(feature[..., 0], (0, 2, 1))  # [B,N,d]
    f_neigh = jnp.transpose(gather_neighbour(f_bnd, neigh_idx), (0, 3, 1, 2))  # [B,d,N,K]
    f_cat = jnp.concatenate([f_neigh, local_rep], axis=1)
    f_dis = cal_feature_dis(feature[..., 0], f_neigh)
    f_lc = dualdis_att_pool(f_cat, f_dis, g_dis, p['W_p1_fc'], p['W_p1_mlp'], p['g_p1'], p['b_p1'])
    local_rep = conv_bn(local_rep, p['W_lc2'], p['g_lc2'], p['b_lc2'])
    f_neigh = jnp.transpose(gather_neighbour(jnp.transpose(f_lc[..., 0], (0, 2, 1)), neigh_idx), (0, 3, 1, 2))
    f_cat = jnp.concatenate([f_neigh, local_rep], axis=1)
    f_dis = cal_feature_dis(f_lc[..., 0], f_neigh)
    f_lc = dualdis_att_pool(f_cat, f_dis, g_dis, p['W_p2_fc'], p['W_p2_mlp'], p['g_p2'], p['b_p2'])
    return f_lc, lg_ratio

def lfa_forward(feature, xyz, neigh_idx, p):
    f_pc = conv_bn(feature, p['W_m1'], p['g_m1'], p['b_m1'])
    f_lc, ratio = local_context_learning(xyz, f_pc, neigh_idx, p)
    f_lc = conv_bn(f_lc, p['W_m2'], p['g_m2'], p['b_m2'], relu=False)
    shortcut = conv_bn(feature, p['W_sc'], p['g_sc'], p['b_sc'], relu=False)
    f_gc = jnp.transpose(jnp.concatenate([xyz, ratio], axis=-1), (0, 2, 1))[..., None]  # [B,4,N,1]
    f_gc = conv_bn(f_gc, p['W_m3'], p['g_m3'], p['b_m3'], relu=False)
    f = conv_bn(jnp.concatenate([f_lc + shortcut, f_gc], axis=1), p['W_m4'], p['g_m4'], p['b_m4'])
    return f

def _make_params(key):
    ks = jax.random.split(key, 11)
    def w(k, o, i):
        return jax.random.normal(k, (o, i), dtype=jnp.float32) * 0.1
    def ones(c):
        return jnp.ones((c,), jnp.float32)
    def zeros(c):
        return jnp.zeros((c,), jnp.float32)
    return {
        'W_m1': w(ks[0], 8, 8), 'g_m1': ones(8), 'b_m1': zeros(8),
        'W_lc1': w(ks[1], 8, 9), 'g_lc1': ones(8), 'b_lc1': zeros(8),
        'W_p1_fc': w(ks[2], 16, 18),
        'W_p1_mlp': w(ks[3], 8, 16), 'g_p1': ones(8), 'b_p1': zeros(8),
        'W_lc2': w(ks[4], 8, 8), 'g_lc2': ones(8), 'b_lc2': zeros(8),
        'W_p2_fc': w(ks[5], 16, 18),
        'W_p2_mlp': w(ks[6], 16, 16), 'g_p2': ones(16), 'b_p2': zeros(16),
        'W_m2': w(ks[7], 32, 16), 'g_m2': ones(32), 'b_m2': zeros(32),
        'W_sc': w(ks[8], 32, 8), 'g_sc': ones(32), 'b_sc': zeros(32),
        'W_m3': w(ks[9], 32, 4), 'g_m3': ones(32), 'b_m3': zeros(32),
        'W_m4': w(ks[10], 32, 64), 'g_m4': ones(32), 'b_m4': zeros(32),
    }

def setup_inputs(seed: int = 0):
    key = jax.random.key(seed)
    B, N, K = 2, 16384, 16
    k1, k2, k3, k4 = jax.random.split(key, 4)
    feature = jax.random.normal(k1, (B, 8, N, 1), dtype=jnp.float32)
    xyz = jax.random.uniform(k2, (B, N, 3), dtype=jnp.float32)
    off = jax.random.randint(k3, (B, N, K), 1, N)
    neigh_idx = (jnp.arange(N)[None, :, None] + off) % N  # no self-neighbors (avoids sqrt(0))
    params = _make_params(k4)
    return {'feature': feature, 'xyz': xyz, 'neigh_idx': neigh_idx, 'params': params}

def reference(feature, xyz, neigh_idx, params):
    return lfa_forward(feature, xyz, neigh_idx, params)

if __name__ == "__main__":
    import jax
    _d = setup_inputs()
    print(jax.jit(kernel)(*tuple(_d.values())))

</pallas_src>

<mosaic_0001>
#map = affine_map<(d0, d1) -> (0, 0)>
#map1 = affine_map<(d0, d1) -> (0)>
module attributes {stable_mosaic.version = 14 : i64} {
  func.func @k(%arg0: i32, %arg1: i32, %arg2: memref<32768x16xf32, #tpu.memory_space<hbm>>, %arg3: memref<524288xi32, #tpu.memory_space<hbm>>, %arg4: memref<524288x16xf32, #tpu.memory_space<hbm>>, %arg5: memref<2048xi32, #tpu.memory_space<vmem>>, %arg6: memref<2048x16xf32, #tpu.memory_space<vmem>>, %arg7: memref<!tpu.dma_semaphore, #tpu.memory_space<semaphore_mem>>) attributes {dimension_semantics = [#tpu.dimension_semantics<core_parallel>, #tpu.dimension_semantics<subcore_parallel>], iteration_bounds = array<i64: 2, 16>, scalar_prefetch = 0 : i64, scratch_operands = 3 : i64, tpu.core_type = #tpu.core_type<sc_vector_subcore>, window_params = [{transform_indices = #map}, {transform_indices = #map1}, {transform_indices = #map}]} {
    %mul3A = arith.constant 2 : i32
    %mul3A_0 = arith.muli %arg1, %mul3A : i32
    %add3A = arith.addi %mul3A_0, %arg0 : i32
    %mul3A_1 = arith.constant 16384 : i32
    %mul3A_2 = arith.muli %add3A, %mul3A_1 : i32
    %scan3A = arith.constant 0 : i32
    %scan3A_3 = arith.constant 0 : i32
    %scan3A_4 = arith.constant 8 : i32
    %scan3A_5 = arith.addi %scan3A_3, %scan3A_4 : i32
    %scan3A_6 = arith.constant 1 : i32
    scf.for %scan3A_8 = %scan3A_3 to %scan3A_5 step %scan3A_6  : i32 {
      %mul3A_9 = arith.constant 2048 : i32
      %mul3A_10 = arith.muli %scan3A_8, %mul3A_9 : i32
      %add3A_11 = arith.addi %mul3A_2, %mul3A_10 : i32
      "tpu.region"() ({
        %run_scoped3A = tpu.sem_alloc : memref<!tpu.dma_semaphore, #tpu.memory_space<semaphore_mem>>
        %dma_start3A_16 = tpu.memref_slice %arg3[%add3A_11] : memref<524288xi32, #tpu.memory_space<hbm>> -> memref<2048xi32, #tpu.memory_space<hbm>>
        %dma_start3A_17 = tpu.memref_slice %arg3[%add3A_11] : memref<524288xi32, #tpu.memory_space<hbm>> -> memref<2048xi32, #tpu.memory_space<hbm>>
        tpu.enqueue_dma source(%dma_start3A_17 : memref<2048xi32, #tpu.memory_space<hbm>>) target(%arg5 : memref<2048xi32, #tpu.memory_space<vmem>>) target_semaphore(%run_scoped3A : memref<!tpu.dma_semaphore, #tpu.memory_space<semaphore_mem>>)
        %dma_wait3A_18 = tpu.memref_slice %arg3[%add3A_11] : memref<524288xi32, #tpu.memory_space<hbm>> -> memref<2048xi32, #tpu.memory_space<hbm>>
        %dma_wait3A_19 = tpu.memref_slice %arg3[%add3A_11] : memref<524288xi32, #tpu.memory_space<hbm>> -> memref<2048xi32, #tpu.memory_space<hbm>>
        tpu.wait_dma2 semaphore(%run_scoped3A : memref<!tpu.dma_semaphore, #tpu.memory_space<semaphore_mem>>) src(%dma_wait3A_19 : memref<2048xi32, #tpu.memory_space<hbm>>) dst(%arg5 : memref<2048xi32, #tpu.memory_space<vmem>>)
        tpu.yield
      }) : () -> ()
      %dma_start3A = arith.constant 0 : i32
      %dma_start3A_12 = arith.constant 0 : i32
      %dma_start3A_13 = tpu.memref_slice %arg2[%dma_start3A, %dma_start3A_12] : memref<32768x16xf32, #tpu.memory_space<hbm>> -> memref<32768x16xf32, #tpu.memory_space<hbm>>
      tpu.enqueue_indirect_dma source(%dma_start3A_13 : memref<32768x16xf32, #tpu.memory_space<hbm>>) target(%arg6 : memref<2048x16xf32, #tpu.memory_space<vmem>>) offsets(%arg5 : memref<2048xi32, #tpu.memory_space<vmem>>) semaphore(%arg7 : memref<!tpu.dma_semaphore, #tpu.memory_space<semaphore_mem>>)
      %dma_wait3A = arith.constant 0 : i32
      %dma_wait3A_14 = arith.constant 0 : i32
      %dma_wait3A_15 = tpu.memref_slice %arg2[%dma_wait3A, %dma_wait3A_14] : memref<32768x16xf32, #tpu.memory_space<hbm>> -> memref<32768x16xf32, #tpu.memory_space<hbm>>
      tpu.wait_indirect_dma semaphore(%arg7 : memref<!tpu.dma_semaphore, #tpu.memory_space<semaphore_mem>>) src(%dma_wait3A_15 : memref<32768x16xf32, #tpu.memory_space<hbm>>) dst(%arg6 : memref<2048x16xf32, #tpu.memory_space<vmem>>)
      "tpu.region"() ({
        %run_scoped3A = tpu.sem_alloc : memref<!tpu.dma_semaphore, #tpu.memory_space<semaphore_mem>>
        %dma_start3A_16 = arith.constant 0 : i32
        %dma_start3A_17 = tpu.memref_slice %arg4[%add3A_11, %dma_start3A_16] : memref<524288x16xf32, #tpu.memory_space<hbm>> -> memref<2048x16xf32, #tpu.memory_space<hbm>>
        %dma_start3A_18 = arith.constant 0 : i32
        %dma_start3A_19 = tpu.memref_slice %arg4[%add3A_11, %dma_start3A_18] : memref<524288x16xf32, #tpu.memory_space<hbm>> -> memref<2048x16xf32, #tpu.memory_space<hbm>>
        tpu.enqueue_dma source(%arg6 : memref<2048x16xf32, #tpu.memory_space<vmem>>) target(%dma_start3A_19 : memref<2048x16xf32, #tpu.memory_space<hbm>>) target_semaphore(%run_scoped3A : memref<!tpu.dma_semaphore, #tpu.memory_space<semaphore_mem>>)
        %dma_wait3A_20 = arith.constant 0 : i32
        %dma_wait3A_21 = tpu.memref_slice %arg4[%add3A_11, %dma_wait3A_20] : memref<524288x16xf32, #tpu.memory_space<hbm>> -> memref<2048x16xf32, #tpu.memory_space<hbm>>
        %dma_wait3A_22 = arith.constant 0 : i32
        %dma_wait3A_23 = tpu.memref_slice %arg4[%add3A_11, %dma_wait3A_22] : memref<524288x16xf32, #tpu.memory_space<hbm>> -> memref<2048x16xf32, #tpu.memory_space<hbm>>
        tpu.wait_dma2 semaphore(%run_scoped3A : memref<!tpu.dma_semaphore, #tpu.memory_space<semaphore_mem>>) src(%arg6 : memref<2048x16xf32, #tpu.memory_space<vmem>>) dst(%dma_wait3A_23 : memref<2048x16xf32, #tpu.memory_space<hbm>>)
        tpu.yield
      }) : () -> ()
    }
    %scan3A_7 = arith.constant 8 : i32
    return
  }
}

#map = affine_map<(d0, d1) -> (0, 0)>
#map1 = affine_map<(d0, d1) -> (0)>
module attributes {stable_mosaic.version = 14 : i64} {
  func.func @k(%arg0: i32, %arg1: i32, %arg2: memref<32768x16xf32, #tpu.memory_space<hbm>>, %arg3: memref<524288xi32, #tpu.memory_space<hbm>>, %arg4: memref<524288x16xf32, #tpu.memory_space<hbm>>, %arg5: memref<2048xi32, #tpu.memory_space<vmem>>, %arg6: memref<2048x16xf32, #tpu.memory_space<vmem>>, %arg7: memref<!tpu.dma_semaphore, #tpu.memory_space<semaphore_mem>>) attributes {dimension_semantics = [#tpu.dimension_semantics<core_parallel>, #tpu.dimension_semantics<subcore_parallel>], iteration_bounds = array<i64: 2, 16>, scalar_prefetch = 0 : i64, scratch_operands = 3 : i64, tpu.core_type = #tpu.core_type<sc_vector_subcore>, window_params = [{transform_indices = #map}, {transform_indices = #map1}, {transform_indices = #map}]} {
    %mul3A = arith.constant 2 : i32
    %mul3A_0 = arith.muli %arg1, %mul3A : i32
    %add3A = arith.addi %mul3A_0, %arg0 : i32
    %mul3A_1 = arith.constant 16384 : i32
    %mul3A_2 = arith.muli %add3A, %mul3A_1 : i32
    %scan3A = arith.constant 0 : i32
    %scan3A_3 = arith.constant 0 : i32
    %scan3A_4 = arith.constant 8 : i32
    %scan3A_5 = arith.addi %scan3A_3, %scan3A_4 : i32
    %scan3A_6 = arith.constant 1 : i32
    scf.for %scan3A_8 = %scan3A_3 to %scan3A_5 step %scan3A_6  : i32 {
      %mul3A_9 = arith.constant 2048 : i32
      %mul3A_10 = arith.muli %scan3A_8, %mul3A_9 : i32
      %add3A_11 = arith.addi %mul3A_2, %mul3A_10 : i32
      "tpu.region"() ({
        %run_scoped3A = tpu.sem_alloc : memref<!tpu.dma_semaphore, #tpu.memory_space<semaphore_mem>>
        %dma_start3A_16 = tpu.memref_slice %arg3[%add3A_11] : memref<524288xi32, #tpu.memory_space<hbm>> -> memref<2048xi32, #tpu.memory_space<hbm>>
        %dma_start3A_17 = tpu.memref_slice %arg3[%add3A_11] : memref<524288xi32, #tpu.memory_space<hbm>> -> memref<2048xi32, #tpu.memory_space<hbm>>
        tpu.enqueue_dma source(%dma_start3A_17 : memref<2048xi32, #tpu.memory_space<hbm>>) target(%arg5 : memref<2048xi32, #tpu.memory_space<vmem>>) target_semaphore(%run_scoped3A : memref<!tpu.dma_semaphore, #tpu.memory_space<semaphore_mem>>)
        %dma_wait3A_18 = tpu.memref_slice %arg3[%add3A_11] : memref<524288xi32, #tpu.memory_space<hbm>> -> memref<2048xi32, #tpu.memory_space<hbm>>
        %dma_wait3A_19 = tpu.memref_slice %arg3[%add3A_11] : memref<524288xi32, #tpu.memory_space<hbm>> -> memref<2048xi32, #tpu.memory_space<hbm>>
        tpu.wait_dma2 semaphore(%run_scoped3A : memref<!tpu.dma_semaphore, #tpu.memory_space<semaphore_mem>>) src(%dma_wait3A_19 : memref<2048xi32, #tpu.memory_space<hbm>>) dst(%arg5 : memref<2048xi32, #tpu.memory_space<vmem>>)
        tpu.yield
      }) : () -> ()
      %dma_start3A = arith.constant 0 : i32
      %dma_start3A_12 = arith.constant 0 : i32
      %dma_start3A_13 = tpu.memref_slice %arg2[%dma_start3A, %dma_start3A_12] : memref<32768x16xf32, #tpu.memory_space<hbm>> -> memref<32768x16xf32, #tpu.memory_space<hbm>>
      tpu.enqueue_indirect_dma source(%dma_start3A_13 : memref<32768x16xf32, #tpu.memory_space<hbm>>) target(%arg6 : memref<2048x16xf32, #tpu.memory_space<vmem>>) offsets(%arg5 : memref<2048xi32, #tpu.memory_space<vmem>>) semaphore(%arg7 : memref<!tpu.dma_semaphore, #tpu.memory_space<semaphore_mem>>)
      %dma_wait3A = arith.constant 0 : i32
      %dma_wait3A_14 = arith.constant 0 : i32
      %dma_wait3A_15 = tpu.memref_slice %arg2[%dma_wait3A, %dma_wait3A_14] : memref<32768x16xf32, #tpu.memory_space<hbm>> -> memref<32768x16xf32, #tpu.memory_space<hbm>>
      tpu.wait_indirect_dma semaphore(%arg7 : memref<!tpu.dma_semaphore, #tpu.memory_space<semaphore_mem>>) src(%dma_wait3A_15 : memref<32768x16xf32, #tpu.memory_space<hbm>>) dst(%arg6 : memref<2048x16xf32, #tpu.memory_space<vmem>>)
      "tpu.region"() ({
        %run_scoped3A = tpu.sem_alloc : memref<!tpu.dma_semaphore, #tpu.memory_space<semaphore_mem>>
        %dma_start3A_16 = arith.constant 0 : i32
        %dma_start3A_17 = tpu.memref_slice %arg4[%add3A_11, %dma_start3A_16] : memref<524288x16xf32, #tpu.memory_space<hbm>> -> memref<2048x16xf32, #tpu.memory_space<hbm>>
        %dma_start3A_18 = arith.constant 0 : i32
        %dma_start3A_19 = tpu.memref_slice %arg4[%add3A_11, %dma_start3A_18] : memref<524288x16xf32, #tpu.memory_space<hbm>> -> memref<2048x16xf32, #tpu.memory_space<hbm>>
        tpu.enqueue_dma source(%arg6 : memref<2048x16xf32, #tpu.memory_space<vmem>>) target(%dma_start3A_19 : memref<2048x16xf32, #tpu.memory_space<hbm>>) target_semaphore(%run_scoped3A : memref<!tpu.dma_semaphore, #tpu.memory_space<semaphore_mem>>)
        %dma_wait3A_20 = arith.constant 0 : i32
        %dma_wait3A_21 = tpu.memref_slice %arg4[%add3A_11, %dma_wait3A_20] : memref<524288x16xf32, #tpu.memory_space<hbm>> -> memref<2048x16xf32, #tpu.memory_space<hbm>>
        %dma_wait3A_22 = arith.constant 0 : i32
        %dma_wait3A_23 = tpu.memref_slice %arg4[%add3A_11, %dma_wait3A_22] : memref<524288x16xf32, #tpu.memory_space<hbm>> -> memref<2048x16xf32, #tpu.memory_space<hbm>>
        tpu.wait_dma2 semaphore(%run_scoped3A : memref<!tpu.dma_semaphore, #tpu.memory_space<semaphore_mem>>) src(%arg6 : memref<2048x16xf32, #tpu.memory_space<vmem>>) dst(%dma_wait3A_23 : memref<2048x16xf32, #tpu.memory_space<hbm>>)
        tpu.yield
      }) : () -> ()
    }
    %scan3A_7 = arith.constant 8 : i32
    return
  }
}

module attributes {stable_mosaic.version = 14 : i64} {
  func.func @body(%arg0: i32, %arg1: memref<4096x8xf32, #tpu.memory_space<vmem>>, %arg2: memref<8x8xf32, #tpu.memory_space<vmem>>, %arg3: memref<4096x8xf32, #tpu.memory_space<vmem>>, %arg4: memref<8x8xf32, #tpu.memory_space<vmem>>) attributes {dimension_semantics = [#tpu.dimension_semantics<arbitrary>], iteration_bounds = array<i64: 8>, scalar_prefetch = 0 : i64, scratch_operands = 0 : i64, tpu.core_type = #tpu.core_type<tc>, window_params = [{transform_indices = @transform_0, window_bounds = array<i64: 4096, 8>}, {pipeline_mode = #tpu.pipeline_mode<synchronous>, transform_indices = @transform_1, window_bounds = array<i64: 8, 8>}, {transform_indices = @transform_2, window_bounds = array<i64: 4096, 8>}, {pipeline_mode = #tpu.pipeline_mode<synchronous>, transform_indices = @transform_3, window_bounds = array<i64: 8, 8>}]} {
    %get3A = arith.constant 0 : index
    %get3A_0 = arith.constant 0 : index
    %get3A_1 = vector.load %arg1[%get3A, %get3A_0] : memref<4096x8xf32, #tpu.memory_space<vmem>>, vector<4096x8xf32>
    %get3A_2 = arith.constant 0 : index
    %get3A_3 = arith.constant 0 : index
    %get3A_4 = vector.load %arg2[%get3A_2, %get3A_3] : memref<8x8xf32, #tpu.memory_space<vmem>>, vector<8x8xf32>
    %transpose3A = tpu.transpose %get3A_4, [1, 0] : vector<8x8xf32> -> vector<8x8xf32>
    %dot_general3A = arith.constant dense<0.000000e+00> : vector<4096x8xf32>
    %dot_general3A_5 = tpu.matmul %get3A_1, %transpose3A, %dot_general3A {dimension_numbers = #tpu.dot_dimension_numbers<[1], [0], [0], [1], [0, 0, 1, 1], [], []>, transpose_lhs_hint = false} : vector<4096x8xf32>, vector<8x8xf32>, vector<4096x8xf32> -> vector<4096x8xf32>
    %swap3A = arith.constant 0 : index
    %swap3A_6 = arith.constant 0 : index
    %swap3A_7 = vector.load %arg3[%swap3A, %swap3A_6] : memref<4096x8xf32, #tpu.memory_space<vmem>>, vector<4096x8xf32>
    tpu.vector_store %arg3[%swap3A, %swap3A_6], %dot_general3A_5 {strides = array<i32>} : memref<4096x8xf32, #tpu.memory_space<vmem>>, vector<4096x8xf32>,
    %reduce_sum3A = arith.constant dense<0.000000e+00> : vector<8xf32>
    %reduce_sum3A_8 = vector.multi_reduction <add>, %dot_general3A_5, %reduce_sum3A [0] : vector<4096x8xf32> to vector<8xf32>
    %mul3A = arith.mulf %dot_general3A_5, %dot_general3A_5 : vector<4096x8xf32>
    %reduce_sum3A_9 = arith.constant dense<0.000000e+00> : vector<8xf32>
    %reduce_sum3A_10 = vector.multi_reduction <add>, %mul3A, %reduce_sum3A_9 [0] : vector<4096x8xf32> to vector<8xf32>
    %broadcast_in_dim3A = arith.constant 0.000000e+00 : f32
    %broadcast_in_dim3A_11 = vector.broadcast %broadcast_in_dim3A : f32 to vector<6x8xf32>
    %broadcast_in_dim3A_12 = vector.shape_cast %reduce_sum3A_8 : vector<8xf32> to vector<1x8xf32>
    %broadcast_in_dim3A_13 = vector.shape_cast %reduce_sum3A_10 : vector<8xf32> to vector<1x8xf32>
    %concatenate3A = tpu.concatenate %broadcast_in_dim3A_12, %broadcast_in_dim3A_13, %broadcast_in_dim3A_11 in 0 : vector<1x8xf32>, vector<1x8xf32>, vector<6x8xf32> -> vector<8x8xf32>
    %eq3A = arith.constant 0 : i32
    %eq3A_14 = arith.cmpi eq, %arg0, %eq3A : i32
    %convert_element_type3A = arith.extui %eq3A_14 : i1 to i32
    %cond3A = arith.constant 0 : i32
    %cond3A_15 = arith.cmpi ne, %convert_element_type3A, %cond3A : i32
    scf.if %cond3A_15 {
      %broadcast_in_dim3A_22 = arith.constant 0.000000e+00 : f32
      %broadcast_in_dim3A_23 = vector.broadcast %broadcast_in_dim3A_22 : f32 to vector<8x8xf32>
      %swap3A_24 = arith.constant 0 : index
      %swap3A_25 = arith.constant 0 : index
      %swap3A_26 = vector.load %arg4[%swap3A_24, %swap3A_25] : memref<8x8xf32, #tpu.memory_space<vmem>>, vector<8x8xf32>
      tpu.vector_store %arg4[%swap3A_24, %swap3A_25], %broadcast_in_dim3A_23 {strides = array<i32>} : memref<8x8xf32, #tpu.memory_space<vmem>>, vector<8x8xf32>,
    } else {
    }
    %get3A_16 = arith.constant 0 : index
    %get3A_17 = arith.constant 0 : index
    %get3A_18 = vector.load %arg4[%get3A_16, %get3A_17] : memref<8x8xf32, #tpu.memory_space<vmem>>, vector<8x8xf32>
    %add3A = arith.addf %get3A_18, %concatenate3A : vector<8x8xf32>
    %swap3A_19 = arith.constant 0 : index
    %swap3A_20 = arith.constant 0 : index
    %swap3A_21 = vector.load %arg4[%swap3A_19, %swap3A_20] : memref<8x8xf32, #tpu.memory_space<vmem>>, vector<8x8xf32>
    tpu.vector_store %arg4[%swap3A_19, %swap3A_20], %add3A {strides = array<i32>} : memref<8x8xf32, #tpu.memory_space<vmem>>, vector<8x8xf32>,
    return
  }
  func.func @transform_0(%arg0: i32) -> (i32, i32) {
    %c0_i32 = arith.constant 0 : i32
    %c0_i32_0 = arith.constant 0 : i32
    return %arg0, %c0_i32 : i32, i32
  }
  func.func @transform_1(%arg0: i32) -> (i32, i32) {
    %c0_i32 = arith.constant 0 : i32
    %c0_i32_0 = arith.constant 0 : i32
    %c0_i32_1 = arith.constant 0 : i32
    return %c0_i32, %c0_i32_0 : i32, i32
  }
  func.func @transform_2(%arg0: i32) -> (i32, i32) {
    %c0_i32 = arith.constant 0 : i32
    %c0_i32_0 = arith.constant 0 : i32
    return %arg0, %c0_i32 : i32, i32
  }
  func.func @transform_3(%arg0: i32) -> (i32, i32) {
    %c0_i32 = arith.constant 0 : i32
    %c0_i32_0 = arith.constant 0 : i32
    %c0_i32_1 = arith.constant 0 : i32
    return %c0_i32, %c0_i32_0 : i32, i32
  }
}

module attributes {stable_mosaic.version = 14 : i64} {
  func.func @body(%arg0: i32, %arg1: memref<4096x8xf32, #tpu.memory_space<vmem>>, %arg2: memref<4096x4xf32, #tpu.memory_space<vmem>>, %arg3: memref<8x8xf32, #tpu.memory_space<vmem>>, %arg4: memref<4096x16xf32, #tpu.memory_space<vmem>>) attributes {dimension_semantics = [#tpu.dimension_semantics<arbitrary>], iteration_bounds = array<i64: 8>, scalar_prefetch = 0 : i64, scratch_operands = 0 : i64, tpu.core_type = #tpu.core_type<tc>, window_params = [{transform_indices = @transform_0, window_bounds = array<i64: 4096, 8>}, {transform_indices = @transform_1, window_bounds = array<i64: 4096, 4>}, {pipeline_mode = #tpu.pipeline_mode<synchronous>, transform_indices = @transform_2, window_bounds = array<i64: 8, 8>}, {transform_indices = @transform_3, window_bounds = array<i64: 4096, 16>}]} {
    %get3A = arith.constant 0 : index
    %get3A_0 = arith.constant 0 : index
    %get3A_1 = vector.load %arg1[%get3A, %get3A_0] : memref<4096x8xf32, #tpu.memory_space<vmem>>, vector<4096x8xf32>
    %get3A_2 = arith.constant 0 : index
    %get3A_3 = arith.constant 0 : index
    %get3A_4 = vector.load %arg3[%get3A_2, %get3A_3] : memref<8x8xf32, #tpu.memory_space<vmem>>, vector<8x8xf32>
    %slice3A = vector.extract_strided_slice %get3A_4 {offsets = [0, 0], sizes = [1, 8], strides = [1, 1]} : vector<8x8xf32> to vector<1x8xf32>
    %slice3A_5 = vector.extract_strided_slice %get3A_4 {offsets = [1, 0], sizes = [1, 8], strides = [1, 1]} : vector<8x8xf32> to vector<1x8xf32>
    %mul3A = vector.broadcast %slice3A : vector<1x8xf32> to vector<4096x8xf32>
    %mul3A_6 = arith.mulf %get3A_1, %mul3A : vector<4096x8xf32>
    %add3A = vector.broadcast %slice3A_5 : vector<1x8xf32> to vector<4096x8xf32>
    %add3A_7 = arith.addf %mul3A_6, %add3A : vector<4096x8xf32>
    %max3A = arith.constant 0.000000e+00 : f32
    %max3A_8 = vector.broadcast %max3A : f32 to vector<4096x8xf32>
    %max3A_9 = arith.maximumf %add3A_7, %max3A_8 : vector<4096x8xf32>
    %get3A_10 = arith.constant 0 : index
    %get3A_11 = arith.constant 0 : index
    %get3A_12 = vector.load %arg2[%get3A_10, %get3A_11] : memref<4096x4xf32, #tpu.memory_space<vmem>>, vector<4096x4xf32>
    %slice3A_13 = vector.extract_strided_slice %get3A_12 {offsets = [0, 0], sizes = [4096, 3], strides = [1, 1]} : vector<4096x4xf32> to vector<4096x3xf32>
    %broadcast_in_dim3A = arith.constant 0.000000e+00 : f32
    %broadcast_in_dim3A_14 = vector.broadcast %broadcast_in_dim3A : f32 to vector<4096x5xf32>
    %concatenate3A = tpu.concatenate %slice3A_13, %max3A_9, %broadcast_in_dim3A_14 in 1 : vector<4096x3xf32>, vector<4096x8xf32>, vector<4096x5xf32> -> vector<4096x16xf32>
    %swap3A = arith.constant 0 : index
    %swap3A_15 = arith.constant 0 : index
    %swap3A_16 = vector.load %arg4[%swap3A, %swap3A_15] : memref<4096x16xf32, #tpu.memory_space<vmem>>, vector<4096x16xf32>
    tpu.vector_store %arg4[%swap3A, %swap3A_15], %concatenate3A {strides = array<i32>} : memref<4096x16xf32, #tpu.memory_space<vmem>>, vector<4096x16xf32>,
    return
  }
  func.func @transform_0(%arg0: i32) -> (i32, i32) {
    %c0_i32 = arith.constant 0 : i32
    %c0_i32_0 = arith.constant 0 : i32
    return %arg0, %c0_i32 : i32, i32
  }
  func.func @transform_1(%arg0: i32) -> (i32, i32) {
    %c0_i32 = arith.constant 0 : i32
    %c0_i32_0 = arith.constant 0 : i32
    return %arg0, %c0_i32 : i32, i32
  }
  func.func @transform_2(%arg0: i32) -> (i32, i32) {
    %c0_i32 = arith.constant 0 : i32
    %c0_i32_0 = arith.constant 0 : i32
    %c0_i32_1 = arith.constant 0 : i32
    return %c0_i32, %c0_i32_0 : i32, i32
  }
  func.func @transform_3(%arg0: i32) -> (i32, i32) {
    %c0_i32 = arith.constant 0 : i32
    %c0_i32_0 = arith.constant 0 : i32
    return %arg0, %c0_i32 : i32, i32
  }
}

module attributes {stable_mosaic.version = 14 : i64} {
  func.func @body(%arg0: i32, %arg1: memref<256x16x16xf32, #tpu.memory_space<vmem>>, %arg2: memref<256x16xf32, #tpu.memory_space<vmem>>, %arg3: memref<8x9xf32, #tpu.memory_space<vmem>>, %arg4: memref<256x16x8xf32, #tpu.memory_space<vmem>>, %arg5: memref<256x16xf32, #tpu.memory_space<vmem>>, %arg6: memref<256x16xf32, #tpu.memory_space<vmem>>, %arg7: memref<256x8xf32, #tpu.memory_space<vmem>>, %arg8: memref<8x8xf32, #tpu.memory_space<vmem>>) attributes {dimension_semantics = [#tpu.dimension_semantics<arbitrary>], iteration_bounds = array<i64: 128>, scalar_prefetch = 0 : i64, scratch_operands = 0 : i64, tpu.core_type = #tpu.core_type<tc>, window_params = [{transform_indices = @transform_0, window_bounds = array<i64: 256, 16, 16>}, {transform_indices = @transform_1, window_bounds = array<i64: 256, 16>}, {pipeline_mode = #tpu.pipeline_mode<synchronous>, transform_indices = @transform_2, window_bounds = array<i64: 8, 9>}, {transform_indices = @transform_3, window_bounds = array<i64: 256, 16, 8>}, {transform_indices = @transform_4, window_bounds = array<i64: 256, 16>}, {transform_indices = @transform_5, window_bounds = array<i64: 256, 16>}, {transform_indices = @transform_6, window_bounds = array<i64: 256, 8>}, {pipeline_mode = #tpu.pipeline_mode<synchronous>, transform_indices = @transform_7, window_bounds = array<i64: 8, 8>}]} {
    %get3A = arith.constant 0 : index
    %get3A_0 = arith.constant 0 : index
    %get3A_1 = arith.constant 0 : index
    %get3A_2 = vector.load %arg1[%get3A, %get3A_0, %get3A_1] : memref<256x16x16xf32, #tpu.memory_space<vmem>>, vector<256x16x16xf32>
    %get3A_3 = arith.constant 0 : index
    %get3A_4 = arith.constant 0 : index
    %get3A_5 = vector.load %arg2[%get3A_3, %get3A_4] : memref<256x16xf32, #tpu.memory_space<vmem>>, vector<256x16xf32>
    %slice3A = vector.extract_strided_slice %get3A_5 {offsets = [0, 0], sizes = [256, 3], strides = [1, 1]} : vector<256x16xf32> to vector<256x3xf32>
    %slice3A_6 = vector.extract_strided_slice %get3A_5 {offsets = [0, 3], sizes = [256, 8], strides = [1, 1]} : vector<256x16xf32> to vector<256x8xf32>
    %slice3A_7 = vector.extract_strided_slice %get3A_2 {offsets = [0, 0, 0], sizes = [256, 16, 3], strides = [1, 1, 1]} : vector<256x16x16xf32> to vector<256x16x3xf32>
    %slice3A_8 = vector.extract_strided_slice %get3A_2 {offsets = [0, 0, 3], sizes = [256, 16, 8], strides = [1, 1, 1]} : vector<256x16x16xf32> to vector<256x16x8xf32>
    %broadcast_in_dim3A = vector.shape_cast %slice3A : vector<256x3xf32> to vector<256x1x3xf32>
    %sub3A = vector.broadcast %broadcast_in_dim3A : vector<256x1x3xf32> to vector<256x16x3xf32>
    %sub3A_9 = arith.subf %sub3A, %slice3A_7 : vector<256x16x3xf32>
    %slice3A_10 = vector.extract_strided_slice %sub3A_9 {offsets = [0, 0, 1], sizes = [256, 16, 1], strides = [1, 1, 1]} : vector<256x16x3xf32> to vector<256x16x1xf32>
    %squeeze3A = vector.shape_cast %slice3A_10 : vector<256x16x1xf32> to vector<256x16xf32>
    %slice3A_11 = vector.extract_strided_slice %sub3A_9 {offsets = [0, 0, 0], sizes = [256, 16, 1], strides = [1, 1, 1]} : vector<256x16x3xf32> to vector<256x16x1xf32>
    %squeeze3A_12 = vector.shape_cast %slice3A_11 : vector<256x16x1xf32> to vector<256x16xf32>
    %atan23A = math.atan2 %squeeze3A, %squeeze3A_12 : vector<256x16xf32>
    %slice3A_13 = vector.extract_strided_slice %sub3A_9 {offsets = [0, 0, 0], sizes = [256, 16, 1], strides = [1, 1, 1]} : vector<256x16x3xf32> to vector<256x16x1xf32>
    %squeeze3A_14 = vector.shape_cast %slice3A_13 : vector<256x16x1xf32> to vector<256x16xf32>
    %integer_pow3A = arith.mulf %squeeze3A_14, %squeeze3A_14 : vector<256x16xf32>
    %slice3A_15 = vector.extract_strided_slice %sub3A_9 {offsets = [0, 0, 1], sizes = [256, 16, 1], strides = [1, 1, 1]} : vector<256x16x3xf32> to vector<256x16x1xf32>
    %squeeze3A_16 = vector.shape_cast %slice3A_15 : vector<256x16x1xf32> to vector<256x16xf32>
    %integer_pow3A_17 = arith.mulf %squeeze3A_16, %squeeze3A_16 : vector<256x16xf32>
    %add3A = arith.addf %integer_pow3A, %integer_pow3A_17 : vector<256x16xf32>
    %sqrt3A = math.sqrt %add3A : vector<256x16xf32>
    %slice3A_18 = vector.extract_strided_slice %sub3A_9 {offsets = [0, 0, 2], sizes = [256, 16, 1], strides = [1, 1, 1]} : vector<256x16x3xf32> to vector<256x16x1xf32>
    %squeeze3A_19 = vector.shape_cast %slice3A_18 : vector<256x16x1xf32> to vector<256x16xf32>
    %atan23A_20 = math.atan2 %squeeze3A_19, %sqrt3A : vector<256x16xf32>
    %mul3A = arith.mulf %sub3A_9, %sub3A_9 : vector<256x16x3xf32>
    %reduce_sum3A = arith.constant dense<0.000000e+00> : vector<256x16xf32>
    %reduce_sum3A_21 = vector.multi_reduction <add>, %mul3A, %reduce_sum3A [2] : vector<256x16x3xf32> to vector<256x16xf32>
    %sqrt3A_22 = math.sqrt %reduce_sum3A_21 : vector<256x16xf32>
    %neg3A = arith.constant 0.000000e+00 : f32
    %neg3A_23 = vector.broadcast %neg3A : f32 to vector<256x16xf32>
    %neg3A_24 = arith.subf %neg3A_23, %sqrt3A_22 : vector<256x16xf32>
    %exp3A = math.exp %neg3A_24 : vector<256x16xf32>
    %swap3A = arith.constant 0 : index
    %swap3A_25 = arith.constant 0 : index
    %swap3A_26 = vector.load %arg5[%swap3A, %swap3A_25] : memref<256x16xf32, #tpu.memory_space<vmem>>, vector<256x16xf32>
    tpu.vector_store %arg5[%swap3A, %swap3A_25], %exp3A {strides = array<i32>} : memref<256x16xf32, #tpu.memory_space<vmem>>, vector<256x16xf32>,
    %reduce_max3A = arith.constant dense<0xFF800000> : vector<256xf32>
    %reduce_max3A_27 = vector.multi_reduction <maximumf>, %sqrt3A_22, %reduce_max3A [1] : vector<256x16xf32> to vector<256xf32>
    %broadcast_in_dim3A_28 = vector.shape_cast %reduce_max3A_27 : vector<256xf32> to vector<256x1xf32>
    %integer_pow3A_29 = arith.mulf %broadcast_in_dim3A_28, %broadcast_in_dim3A_28 : vector<256x1xf32>
    %integer_pow3A_30 = arith.mulf %broadcast_in_dim3A_28, %integer_pow3A_29 : vector<256x1xf32>
    %reduce_sum3A_31 = arith.constant dense<0.000000e+00> : vector<256x3xf32>
    %reduce_sum3A_32 = vector.multi_reduction <add>, %slice3A_7, %reduce_sum3A_31 [1] : vector<256x16x3xf32> to vector<256x3xf32>
    %div3A = arith.constant 1.600000e+01 : f32
    %div3A_33 = vector.broadcast %div3A : f32 to vector<256x3xf32>
    %div3A_34 = arith.divf %reduce_sum3A_32, %div3A_33 : vector<256x3xf32>
    %sub3A_35 = arith.subf %slice3A, %div3A_34 : vector<256x3xf32>
    %slice3A_36 = vector.extract_strided_slice %sub3A_35 {offsets = [0, 1], sizes = [256, 1], strides = [1, 1]} : vector<256x3xf32> to vector<256x1xf32>
    %squeeze3A_37 = vector.shape_cast %slice3A_36 : vector<256x1xf32> to vector<256xf32>
    %slice3A_38 = vector.extract_strided_slice %sub3A_35 {offsets = [0, 0], sizes = [256, 1], strides = [1, 1]} : vector<256x3xf32> to vector<256x1xf32>
    %squeeze3A_39 = vector.shape_cast %slice3A_38 : vector<256x1xf32> to vector<256xf32>
    %atan23A_40 = math.atan2 %squeeze3A_37, %squeeze3A_39 : vector<256xf32>
    %broadcast_in_dim3A_41 = vector.shape_cast %atan23A_40 : vector<256xf32> to vector<256x1xf32>
    %slice3A_42 = vector.extract_strided_slice %sub3A_35 {offsets = [0, 2], sizes = [256, 1], strides = [1, 1]} : vector<256x3xf32> to vector<256x1xf32>
    %squeeze3A_43 = vector.shape_cast %slice3A_42 : vector<256x1xf32> to vector<256xf32>
    %slice3A_44 = vector.extract_strided_slice %sub3A_35 {offsets = [0, 0], sizes = [256, 1], strides = [1, 1]} : vector<256x3xf32> to vector<256x1xf32>
    %squeeze3A_45 = vector.shape_cast %slice3A_44 : vector<256x1xf32> to vector<256xf32>
    %integer_pow3A_46 = arith.mulf %squeeze3A_45, %squeeze3A_45 : vector<256xf32>
    %slice3A_47 = vector.extract_strided_slice %sub3A_35 {offsets = [0, 1], sizes = [256, 1], strides = [1, 1]} : vector<256x3xf32> to vector<256x1xf32>
    %squeeze3A_48 = vector.shape_cast %slice3A_47 : vector<256x1xf32> to vector<256xf32>
    %integer_pow3A_49 = arith.mulf %squeeze3A_48, %squeeze3A_48 : vector<256xf32>
    %add3A_50 = arith.addf %integer_pow3A_46, %integer_pow3A_49 : vector<256xf32>
    %sqrt3A_51 = math.sqrt %add3A_50 : vector<256xf32>
    %atan23A_52 = math.atan2 %squeeze3A_43, %sqrt3A_51 : vector<256xf32>
    %broadcast_in_dim3A_53 = vector.shape_cast %atan23A_52 : vector<256xf32> to vector<256x1xf32>
    %sub3A_54 = vector.broadcast %broadcast_in_dim3A_41 : vector<256x1xf32> to vector<256x16xf32>
    %sub3A_55 = arith.subf %atan23A, %sub3A_54 : vector<256x16xf32>
    %sub3A_56 = vector.broadcast %broadcast_in_dim3A_53 : vector<256x1xf32> to vector<256x16xf32>
    %sub3A_57 = arith.subf %atan23A_20, %sub3A_56 : vector<256x16xf32>
    %slice3A_58 = vector.extract_strided_slice %slice3A {offsets = [0, 0], sizes = [256, 1], strides = [1, 1]} : vector<256x3xf32> to vector<256x1xf32>
    %squeeze3A_59 = vector.shape_cast %slice3A_58 : vector<256x1xf32> to vector<256xf32>
    %broadcast_in_dim3A_60 = vector.shape_cast %squeeze3A_59 : vector<256xf32> to vector<256x1xf32>
    %broadcast_in_dim3A_61 = vector.shape_cast %broadcast_in_dim3A_60 : vector<256x1xf32> to vector<256x1xf32>
    %broadcast_in_dim3A_62 = vector.broadcast %broadcast_in_dim3A_61 : vector<256x1xf32> to vector<256x16xf32>
    %slice3A_63 = vector.extract_strided_slice %slice3A {offsets = [0, 1], sizes = [256, 1], strides = [1, 1]} : vector<256x3xf32> to vector<256x1xf32>
    %squeeze3A_64 = vector.shape_cast %slice3A_63 : vector<256x1xf32> to vector<256xf32>
    %broadcast_in_dim3A_65 = vector.shape_cast %squeeze3A_64 : vector<256xf32> to vector<256x1xf32>
    %broadcast_in_dim3A_66 = vector.shape_cast %broadcast_in_dim3A_65 : vector<256x1xf32> to vector<256x1xf32>
    %broadcast_in_dim3A_67 = vector.broadcast %broadcast_in_dim3A_66 : vector<256x1xf32> to vector<256x16xf32>
    %slice3A_68 = vector.extract_strided_slice %slice3A {offsets = [0, 2], sizes = [256, 1], strides = [1, 1]} : vector<256x3xf32> to vector<256x1xf32>
    %squeeze3A_69 = vector.shape_cast %slice3A_68 : vector<256x1xf32> to vector<256xf32>
    %broadcast_in_dim3A_70 = vector.shape_cast %squeeze3A_69 : vector<256xf32> to vector<256x1xf32>
    %broadcast_in_dim3A_71 = vector.shape_cast %broadcast_in_dim3A_70 : vector<256x1xf32> to vector<256x1xf32>
    %broadcast_in_dim3A_72 = vector.broadcast %broadcast_in_dim3A_71 : vector<256x1xf32> to vector<256x16xf32>
    %slice3A_73 = vector.extract_strided_slice %slice3A_7 {offsets = [0, 0, 0], sizes = [256, 16, 1], strides = [1, 1, 1]} : vector<256x16x3xf32> to vector<256x16x1xf32>
    %squeeze3A_74 = vector.shape_cast %slice3A_73 : vector<256x16x1xf32> to vector<256x16xf32>
    %slice3A_75 = vector.extract_strided_slice %slice3A_7 {offsets = [0, 0, 1], sizes = [256, 16, 1], strides = [1, 1, 1]} : vector<256x16x3xf32> to vector<256x16x1xf32>
    %squeeze3A_76 = vector.shape_cast %slice3A_75 : vector<256x16x1xf32> to vector<256x16xf32>
    %slice3A_77 = vector.extract_strided_slice %slice3A_7 {offsets = [0, 0, 2], sizes = [256, 16, 1], strides = [1, 1, 1]} : vector<256x16x3xf32> to vector<256x16x1xf32>
    %squeeze3A_78 = vector.shape_cast %slice3A_77 : vector<256x16x1xf32> to vector<256x16xf32>
    %get3A_79 = arith.constant 0 : index
    %get3A_80 = arith.constant 0 : index
    %get3A_81 = vector.load %arg3[%get3A_79, %get3A_80] : memref<8x9xf32, #tpu.memory_space<vmem>>, vector<8x9xf32>
    %broadcast_in_dim3A_82 = arith.constant 0.000000e+00 : f32
    %broadcast_in_dim3A_83 = vector.broadcast %broadcast_in_dim3A_82 : f32 to vector<256x16x8xf32>
    %broadcast_in_dim3A_84 = vector.shape_cast %sub3A_55 : vector<256x16xf32> to vector<256x16x1xf32>
    %slice3A_85 = vector.extract_strided_slice %get3A_81 {offsets = [0, 0], sizes = [8, 1], strides = [1, 1]} : vector<8x9xf32> to vector<8x1xf32>
    %squeeze3A_86 = vector.shape_cast %slice3A_85 : vector<8x1xf32> to vector<8xf32>
    %broadcast_in_dim3A_87 = vector.shape_cast %squeeze3A_86 : vector<8xf32> to vector<1x1x8xf32>
    %mul3A_88 = vector.broadcast %broadcast_in_dim3A_84 : vector<256x16x1xf32> to vector<256x16x8xf32>
    %mul3A_89 = vector.broadcast %broadcast_in_dim3A_87 : vector<1x1x8xf32> to vector<256x16x8xf32>
    %mul3A_90 = arith.mulf %mul3A_88, %mul3A_89 : vector<256x16x8xf32>
    %add3A_91 = arith.addf %broadcast_in_dim3A_83, %mul3A_90 : vector<256x16x8xf32>
    %broadcast_in_dim3A_92 = vector.shape_cast %sub3A_57 : vector<256x16xf32> to vector<256x16x1xf32>
    %slice3A_93 = vector.extract_strided_slice %get3A_81 {offsets = [0, 1], sizes = [8, 1], strides = [1, 1]} : vector<8x9xf32> to vector<8x1xf32>
    %squeeze3A_94 = vector.shape_cast %slice3A_93 : vector<8x1xf32> to vector<8xf32>
    %broadcast_in_dim3A_95 = vector.shape_cast %squeeze3A_94 : vector<8xf32> to vector<1x1x8xf32>
    %mul3A_96 = vector.broadcast %broadcast_in_dim3A_92 : vector<256x16x1xf32> to vector<256x16x8xf32>
    %mul3A_97 = vector.broadcast %broadcast_in_dim3A_95 : vector<1x1x8xf32> to vector<256x16x8xf32>
    %mul3A_98 = arith.mulf %mul3A_96, %mul3A_97 : vector<256x16x8xf32>
    %add3A_99 = arith.addf %add3A_91, %mul3A_98 : vector<256x16x8xf32>
    %broadcast_in_dim3A_100 = vector.shape_cast %sqrt3A_22 : vector<256x16xf32> to vector<256x16x1xf32>
    %slice3A_101 = vector.extract_strided_slice %get3A_81 {offsets = [0, 2], sizes = [8, 1], strides = [1, 1]} : vector<8x9xf32> to vector<8x1xf32>
    %squeeze3A_102 = vector.shape_cast %slice3A_101 : vector<8x1xf32> to vector<8xf32>
    %broadcast_in_dim3A_103 = vector.shape_cast %squeeze3A_102 : vector<8xf32> to vector<1x1x8xf32>
    %mul3A_104 = vector.broadcast %broadcast_in_dim3A_100 : vector<256x16x1xf32> to vector<256x16x8xf32>
    %mul3A_105 = vector.broadcast %broadcast_in_dim3A_103 : vector<1x1x8xf32> to vector<256x16x8xf32>
    %mul3A_106 = arith.mulf %mul3A_104, %mul3A_105 : vector<256x16x8xf32>
    %add3A_107 = arith.addf %add3A_99, %mul3A_106 : vector<256x16x8xf32>
    %broadcast_in_dim3A_108 = vector.shape_cast %broadcast_in_dim3A_62 : vector<256x16xf32> to vector<256x16x1xf32>
    %slice3A_109 = vector.extract_strided_slice %get3A_81 {offsets = [0, 3], sizes = [8, 1], strides = [1, 1]} : vector<8x9xf32> to vector<8x1xf32>
    %squeeze3A_110 = vector.shape_cast %slice3A_109 : vector<8x1xf32> to vector<8xf32>
    %broadcast_in_dim3A_111 = vector.shape_cast %squeeze3A_110 : vector<8xf32> to vector<1x1x8xf32>
    %mul3A_112 = vector.broadcast %broadcast_in_dim3A_108 : vector<256x16x1xf32> to vector<256x16x8xf32>
    %mul3A_113 = vector.broadcast %broadcast_in_dim3A_111 : vector<1x1x8xf32> to vector<256x16x8xf32>
    %mul3A_114 = arith.mulf %mul3A_112, %mul3A_113 : vector<256x16x8xf32>
    %add3A_115 = arith.addf %add3A_107, %mul3A_114 : vector<256x16x8xf32>
    %broadcast_in_dim3A_116 = vector.shape_cast %broadcast_in_dim3A_67 : vector<256x16xf32> to vector<256x16x1xf32>
    %slice3A_117 = vector.extract_strided_slice %get3A_81 {offsets = [0, 4], sizes = [8, 1], strides = [1, 1]} : vector<8x9xf32> to vector<8x1xf32>
    %squeeze3A_118 = vector.shape_cast %slice3A_117 : vector<8x1xf32> to vector<8xf32>
    %broadcast_in_dim3A_119 = vector.shape_cast %squeeze3A_118 : vector<8xf32> to vector<1x1x8xf32>
    %mul3A_120 = vector.broadcast %broadcast_in_dim3A_116 : vector<256x16x1xf32> to vector<256x16x8xf32>
    %mul3A_121 = vector.broadcast %broadcast_in_dim3A_119 : vector<1x1x8xf32> to vector<256x16x8xf32>
    %mul3A_122 = arith.mulf %mul3A_120, %mul3A_121 : vector<256x16x8xf32>
    %add3A_123 = arith.addf %add3A_115, %mul3A_122 : vector<256x16x8xf32>
    %broadcast_in_dim3A_124 = vector.shape_cast %broadcast_in_dim3A_72 : vector<256x16xf32> to vector<256x16x1xf32>
    %slice3A_125 = vector.extract_strided_slice %get3A_81 {offsets = [0, 5], sizes = [8, 1], strides = [1, 1]} : vector<8x9xf32> to vector<8x1xf32>
    %squeeze3A_126 = vector.shape_cast %slice3A_125 : vector<8x1xf32> to vector<8xf32>
    %broadcast_in_dim3A_127 = vector.shape_cast %squeeze3A_126 : vector<8xf32> to vector<1x1x8xf32>
    %mul3A_128 = vector.broadcast %broadcast_in_dim3A_124 : vector<256x16x1xf32> to vector<256x16x8xf32>
    %mul3A_129 = vector.broadcast %broadcast_in_dim3A_127 : vector<1x1x8xf32> to vector<256x16x8xf32>
    %mul3A_130 = arith.mulf %mul3A_128, %mul3A_129 : vector<256x16x8xf32>
    %add3A_131 = arith.addf %add3A_123, %mul3A_130 : vector<256x16x8xf32>
    %broadcast_in_dim3A_132 = vector.shape_cast %squeeze3A_74 : vector<256x16xf32> to vector<256x16x1xf32>
    %slice3A_133 = vector.extract_strided_slice %get3A_81 {offsets = [0, 6], sizes = [8, 1], strides = [1, 1]} : vector<8x9xf32> to vector<8x1xf32>
    %squeeze3A_134 = vector.shape_cast %slice3A_133 : vector<8x1xf32> to vector<8xf32>
    %broadcast_in_dim3A_135 = vector.shape_cast %squeeze3A_134 : vector<8xf32> to vector<1x1x8xf32>
    %mul3A_136 = vector.broadcast %broadcast_in_dim3A_132 : vector<256x16x1xf32> to vector<256x16x8xf32>
    %mul3A_137 = vector.broadcast %broadcast_in_dim3A_135 : vector<1x1x8xf32> to vector<256x16x8xf32>
    %mul3A_138 = arith.mulf %mul3A_136, %mul3A_137 : vector<256x16x8xf32>
    %add3A_139 = arith.addf %add3A_131, %mul3A_138 : vector<256x16x8xf32>
    %broadcast_in_dim3A_140 = vector.shape_cast %squeeze3A_76 : vector<256x16xf32> to vector<256x16x1xf32>
    %slice3A_141 = vector.extract_strided_slice %get3A_81 {offsets = [0, 7], sizes = [8, 1], strides = [1, 1]} : vector<8x9xf32> to vector<8x1xf32>
    %squeeze3A_142 = vector.shape_cast %slice3A_141 : vector<8x1xf32> to vector<8xf32>
    %broadcast_in_dim3A_143 = vector.shape_cast %squeeze3A_142 : vector<8xf32> to vector<1x1x8xf32>
    %mul3A_144 = vector.broadcast %broadcast_in_dim3A_140 : vector<256x16x1xf32> to vector<256x16x8xf32>
    %mul3A_145 = vector.broadcast %broadcast_in_dim3A_143 : vector<1x1x8xf32> to vector<256x16x8xf32>
    %mul3A_146 = arith.mulf %mul3A_144, %mul3A_145 : vector<256x16x8xf32>
    %add3A_147 = arith.addf %add3A_139, %mul3A_146 : vector<256x16x8xf32>
    %broadcast_in_dim3A_148 = vector.shape_cast %squeeze3A_78 : vector<256x16xf32> to vector<256x16x1xf32>
    %slice3A_149 = vector.extract_strided_slice %get3A_81 {offsets = [0, 8], sizes = [8, 1], strides = [1, 1]} : vector<8x9xf32> to vector<8x1xf32>
    %squeeze3A_150 = vector.shape_cast %slice3A_149 : vector<8x1xf32> to vector<8xf32>
    %broadcast_in_dim3A_151 = vector.shape_cast %squeeze3A_150 : vector<8xf32> to vector<1x1x8xf32>
    %mul3A_152 = vector.broadcast %broadcast_in_dim3A_148 : vector<256x16x1xf32> to vector<256x16x8xf32>
    %mul3A_153 = vector.broadcast %broadcast_in_dim3A_151 : vector<1x1x8xf32> to vector<256x16x8xf32>
    %mul3A_154 = arith.mulf %mul3A_152, %mul3A_153 : vector<256x16x8xf32>
    %add3A_155 = arith.addf %add3A_147, %mul3A_154 : vector<256x16x8xf32>
    %swap3A_156 = arith.constant 0 : index
    %swap3A_157 = arith.constant 0 : index
    %swap3A_158 = arith.constant 0 : index
    %swap3A_159 = vector.load %arg4[%swap3A_156, %swap3A_157, %swap3A_158] : memref<256x16x8xf32, #tpu.memory_space<vmem>>, vector<256x16x8xf32>
    tpu.vector_store %arg4[%swap3A_156, %swap3A_157, %swap3A_158], %add3A_155 {strides = array<i32>} : memref<256x16x8xf32, #tpu.memory_space<vmem>>, vector<256x16x8xf32>,
    %reduce_sum3A_160 = arith.constant dense<0.000000e+00> : vector<8xf32>
    %reduce_sum3A_161 = vector.multi_reduction <add>, %add3A_155, %reduce_sum3A_160 [0, 1] : vector<256x16x8xf32> to vector<8xf32>
    %mul3A_162 = arith.mulf %add3A_155, %add3A_155 : vector<256x16x8xf32>
    %reduce_sum3A_163 = arith.constant dense<0.000000e+00> : vector<8xf32>
    %reduce_sum3A_164 = vector.multi_reduction <add>, %mul3A_162, %reduce_sum3A_163 [0, 1] : vector<256x16x8xf32> to vector<8xf32>
    %broadcast_in_dim3A_165 = arith.constant 0.000000e+00 : f32
    %broadcast_in_dim3A_166 = vector.broadcast %broadcast_in_dim3A_165 : f32 to vector<6x8xf32>
    %broadcast_in_dim3A_167 = vector.shape_cast %reduce_sum3A_161 : vector<8xf32> to vector<1x8xf32>
    %broadcast_in_dim3A_168 = vector.shape_cast %reduce_sum3A_164 : vector<8xf32> to vector<1x8xf32>
    %concatenate3A = tpu.concatenate %broadcast_in_dim3A_167, %broadcast_in_dim3A_168, %broadcast_in_dim3A_166 in 0 : vector<1x8xf32>, vector<1x8xf32>, vector<6x8xf32> -> vector<8x8xf32>
    %eq3A = arith.constant 0 : i32
    %eq3A_169 = arith.cmpi eq, %arg0, %eq3A : i32
    %convert_element_type3A = arith.extui %eq3A_169 : i1 to i32
    %cond3A = arith.constant 0 : i32
    %cond3A_170 = arith.cmpi ne, %convert_element_type3A, %cond3A : i32
    scf.if %cond3A_170 {
      %broadcast_in_dim3A_207 = arith.constant 0.000000e+00 : f32
      %broadcast_in_dim3A_208 = vector.broadcast %broadcast_in_dim3A_207 : f32 to vector<8x8xf32>
      %swap3A_209 = arith.constant 0 : index
      %swap3A_210 = arith.constant 0 : index
      %swap3A_211 = vector.load %arg8[%swap3A_209, %swap3A_210] : memref<8x8xf32, #tpu.memory_space<vmem>>, vector<8x8xf32>
      tpu.vector_store %arg8[%swap3A_209, %swap3A_210], %broadcast_in_dim3A_208 {strides = array<i32>} : memref<8x8xf32, #tpu.memory_space<vmem>>, vector<8x8xf32>,
    } else {
    }
    %get3A_171 = arith.constant 0 : index
    %get3A_172 = arith.constant 0 : index
    %get3A_173 = vector.load %arg8[%get3A_171, %get3A_172] : memref<8x8xf32, #tpu.memory_space<vmem>>, vector<8x8xf32>
    %add3A_174 = arith.addf %get3A_173, %concatenate3A : vector<8x8xf32>
    %swap3A_175 = arith.constant 0 : index
    %swap3A_176 = arith.constant 0 : index
    %swap3A_177 = vector.load %arg8[%swap3A_175, %swap3A_176] : memref<8x8xf32, #tpu.memory_space<vmem>>, vector<8x8xf32>
    tpu.vector_store %arg8[%swap3A_175, %swap3A_176], %add3A_174 {strides = array<i32>} : memref<8x8xf32, #tpu.memory_space<vmem>>, vector<8x8xf32>,
    %broadcast_in_dim3A_178 = vector.shape_cast %slice3A_6 : vector<256x8xf32> to vector<256x1x8xf32>
    %sub3A_179 = vector.broadcast %broadcast_in_dim3A_178 : vector<256x1x8xf32> to vector<256x16x8xf32>
    %sub3A_180 = arith.subf %sub3A_179, %slice3A_8 : vector<256x16x8xf32>
    %abs3A = math.absf %sub3A_180 : vector<256x16x8xf32>
    %reduce_sum3A_181 = arith.constant dense<0.000000e+00> : vector<256x16xf32>
    %reduce_sum3A_182 = vector.multi_reduction <add>, %abs3A, %reduce_sum3A_181 [2] : vector<256x16x8xf32> to vector<256x16xf32>
    %div3A_183 = arith.constant 8.000000e+00 : f32
    %div3A_184 = vector.broadcast %div3A_183 : f32 to vector<256x16xf32>
    %div3A_185 = arith.divf %reduce_sum3A_182, %div3A_184 : vector<256x16xf32>
    %neg3A_186 = arith.constant 0.000000e+00 : f32
    %neg3A_187 = vector.broadcast %neg3A_186 : f32 to vector<256x16xf32>
    %neg3A_188 = arith.subf %neg3A_187, %div3A_185 : vector<256x16xf32>
    %exp3A_189 = math.exp %neg3A_188 : vector<256x16xf32>
    %swap3A_190 = arith.constant 0 : index
    %swap3A_191 = arith.constant 0 : index
    %swap3A_192 = vector.load %arg6[%swap3A_190, %swap3A_191] : memref<256x16xf32, #tpu.memory_space<vmem>>, vector<256x16xf32>
    tpu.vector_store %arg6[%swap3A_190, %swap3A_191], %exp3A_189 {strides = array<i32>} : memref<256x16xf32, #tpu.memory_space<vmem>>, vector<256x16xf32>,
    %mul3A_193 = arith.mulf %slice3A, %slice3A : vector<256x3xf32>
    %reduce_sum3A_194 = arith.constant dense<0.000000e+00> : vector<256xf32>
    %reduce_sum3A_195 = vector.multi_reduction <add>, %mul3A_193, %reduce_sum3A_194 [1] : vector<256x3xf32> to vector<256xf32>
    %broadcast_in_dim3A_196 = vector.shape_cast %reduce_sum3A_195 : vector<256xf32> to vector<256x1xf32>
    %sqrt3A_197 = math.sqrt %broadcast_in_dim3A_196 : vector<256x1xf32>
    %integer_pow3A_198 = arith.mulf %sqrt3A_197, %sqrt3A_197 : vector<256x1xf32>
    %integer_pow3A_199 = arith.mulf %sqrt3A_197, %integer_pow3A_198 : vector<256x1xf32>
    %div3A_200 = arith.divf %integer_pow3A_30, %integer_pow3A_199 : vector<256x1xf32>
    %broadcast_in_dim3A_201 = arith.constant 0.000000e+00 : f32
    %broadcast_in_dim3A_202 = vector.broadcast %broadcast_in_dim3A_201 : f32 to vector<256x7xf32>
    %concatenate3A_203 = tpu.concatenate %div3A_200, %broadcast_in_dim3A_202 in 1 : vector<256x1xf32>, vector<256x7xf32> -> vector<256x8xf32>
    %swap3A_204 = arith.constant 0 : index
    %swap3A_205 = arith.constant 0 : index
    %swap3A_206 = vector.load %arg7[%swap3A_204, %swap3A_205] : memref<256x8xf32, #tpu.memory_space<vmem>>, vector<256x8xf32>
    tpu.vector_store %arg7[%swap3A_204, %swap3A_205], %concatenate3A_203 {strides = array<i32>} : memref<256x8xf32, #tpu.memory_space<vmem>>, vector<256x8xf32>,
    return
  }
  func.func @transform_0(%arg0: i32) -> (i32, i32, i32) {
    %c0_i32 = arith.constant 0 : i32
    %c0_i32_0 = arith.constant 0 : i32
    %c0_i32_1 = arith.constant 0 : i32
    return %arg0, %c0_i32, %c0_i32_0 : i32, i32, i32
  }
  func.func @transform_1(%arg0: i32) -> (i32, i32) {
    %c0_i32 = arith.constant 0 : i32
    %c0_i32_0 = arith.constant 0 : i32
    return %arg0, %c0_i32 : i32, i32
  }
  func.func @transform_2(%arg0: i32) -> (i32, i32) {
    %c0_i32 = arith.constant 0 : i32
    %c0_i32_0 = arith.constant 0 : i32
    %c0_i32_1 = arith.constant 0 : i32
    return %c0_i32, %c0_i32_0 : i32, i32
  }
  func.func @transform_3(%arg0: i32) -> (i32, i32, i32) {
    %c0_i32 = arith.constant 0 : i32
    %c0_i32_0 = arith.constant 0 : i32
    %c0_i32_1 = arith.constant 0 : i32
    return %arg0, %c0_i32, %c0_i32_0 : i32, i32, i32
  }
  func.func @transform_4(%arg0: i32) -> (i32, i32) {
    %c0_i32 = arith.constant 0 : i32
    %c0_i32_0 = arith.constant 0 : i32
    return %arg0, %c0_i32 : i32, i32
  }
  func.func @transform_5(%arg0: i32) -> (i32, i32) {
    %c0_i32 = arith.constant 0 : i32
    %c0_i32_0 = arith.constant 0 : i32
    return %arg0, %c0_i32 : i32, i32
  }
  func.func @transform_6(%arg0: i32) -> (i32, i32) {
    %c0_i32 = arith.constant 0 : i32
    %c0_i32_0 = arith.constant 0 : i32
    return %arg0, %c0_i32 : i32, i32
  }
  func.func @transform_7(%arg0: i32) -> (i32, i32) {
    %c0_i32 = arith.constant 0 : i32
    %c0_i32_0 = arith.constant 0 : i32
    %c0_i32_1 = arith.constant 0 : i32
    return %c0_i32, %c0_i32_0 : i32, i32
  }
}

module attributes {stable_mosaic.version = 14 : i64} {
  func.func @body(%arg0: i32, %arg1: memref<256x16x8xf32, #tpu.memory_space<vmem>>, %arg2: memref<256x16x16xf32, #tpu.memory_space<vmem>>, %arg3: memref<256x16xf32, #tpu.memory_space<vmem>>, %arg4: memref<256x16xf32, #tpu.memory_space<vmem>>, %arg5: memref<8x8xf32, #tpu.memory_space<vmem>>, %arg6: memref<16x18xf32, #tpu.memory_space<vmem>>, %arg7: memref<8x16xf32, #tpu.memory_space<vmem>>, %arg8: memref<8x8xf32, #tpu.memory_space<vmem>>, %arg9: memref<256x8xf32, #tpu.memory_space<vmem>>, %arg10: memref<256x16x8xf32, #tpu.memory_space<vmem>>, %arg11: memref<8x8xf32, #tpu.memory_space<vmem>>, %arg12: memref<8x8xf32, #tpu.memory_space<vmem>>) attributes {dimension_semantics = [#tpu.dimension_semantics<arbitrary>], iteration_bounds = array<i64: 128>, scalar_prefetch = 0 : i64, scratch_operands = 0 : i64, tpu.core_type = #tpu.core_type<tc>, window_params = [{transform_indices = @transform_0, window_bounds = array<i64: 256, 16, 8>}, {transform_indices = @transform_1, window_bounds = array<i64: 256, 16, 16>}, {transform_indices = @transform_2, window_bounds = array<i64: 256, 16>}, {transform_indices = @transform_3, window_bounds = array<i64: 256, 16>}, {pipeline_mode = #tpu.pipeline_mode<synchronous>, transform_indices = @transform_4, window_bounds = array<i64: 8, 8>}, {pipeline_mode = #tpu.pipeline_mode<synchronous>, transform_indices = @transform_5, window_bounds = array<i64: 16, 18>}, {pipeline_mode = #tpu.pipeline_mode<synchronous>, transform_indices = @transform_6, window_bounds = array<i64: 8, 16>}, {pipeline_mode = #tpu.pipeline_mode<synchronous>, transform_indices = @transform_7, window_bounds = array<i64: 8, 8>}, {transform_indices = @transform_8, window_bounds = array<i64: 256, 8>}, {transform_indices = @transform_9, window_bounds = array<i64: 256, 16, 8>}, {pipeline_mode = #tpu.pipeline_mode<synchronous>, transform_indices = @transform_10, window_bounds = array<i64: 8, 8>}, {pipeline_mode = #tpu.pipeline_mode<synchronous>, transform_indices = @transform_11, window_bounds = array<i64: 8, 8>}]} {
    %get3A = arith.constant 0 : index
    %get3A_0 = arith.constant 0 : index
    %get3A_1 = arith.constant 0 : index
    %get3A_2 = vector.load %arg1[%get3A, %get3A_0, %get3A_1] : memref<256x16x8xf32, #tpu.memory_space<vmem>>, vector<256x16x8xf32>
    %get3A_3 = arith.constant 0 : index
    %get3A_4 = arith.constant 0 : index
    %get3A_5 = vector.load %arg5[%get3A_3, %get3A_4] : memref<8x8xf32, #tpu.memory_space<vmem>>, vector<8x8xf32>
    %slice3A = vector.extract_strided_slice %get3A_5 {offsets = [0, 0], sizes = [1, 8], strides = [1, 1]} : vector<8x8xf32> to vector<1x8xf32>
    %slice3A_6 = vector.extract_strided_slice %get3A_5 {offsets = [1, 0], sizes = [1, 8], strides = [1, 1]} : vector<8x8xf32> to vector<1x8xf32>
    %broadcast_in_dim3A = vector.shape_cast %slice3A : vector<1x8xf32> to vector<1x1x8xf32>
    %broadcast_in_dim3A_7 = vector.shape_cast %slice3A_6 : vector<1x8xf32> to vector<1x1x8xf32>
    %mul3A = vector.broadcast %broadcast_in_dim3A : vector<1x1x8xf32> to vector<256x16x8xf32>
    %mul3A_8 = arith.mulf %get3A_2, %mul3A : vector<256x16x8xf32>
    %add3A = vector.broadcast %broadcast_in_dim3A_7 : vector<1x1x8xf32> to vector<256x16x8xf32>
    %add3A_9 = arith.addf %mul3A_8, %add3A : vector<256x16x8xf32>
    %max3A = arith.constant 0.000000e+00 : f32
    %max3A_10 = vector.broadcast %max3A : f32 to vector<256x16x8xf32>
    %max3A_11 = arith.maximumf %add3A_9, %max3A_10 : vector<256x16x8xf32>
    %get3A_12 = arith.constant 0 : index
    %get3A_13 = arith.constant 0 : index
    %get3A_14 = arith.constant 0 : index
    %get3A_15 = vector.load %arg2[%get3A_12, %get3A_13, %get3A_14] : memref<256x16x16xf32, #tpu.memory_space<vmem>>, vector<256x16x16xf32>
    %slice3A_16 = vector.extract_strided_slice %get3A_15 {offsets = [0, 0, 3], sizes = [256, 16, 8], strides = [1, 1, 1]} : vector<256x16x16xf32> to vector<256x16x8xf32>
    %get3A_17 = arith.constant 0 : index
    %get3A_18 = arith.constant 0 : index
    %get3A_19 = vector.load %arg3[%get3A_17, %get3A_18] : memref<256x16xf32, #tpu.memory_space<vmem>>, vector<256x16xf32>
    %get3A_20 = arith.constant 0 : index
    %get3A_21 = arith.constant 0 : index
    %get3A_22 = vector.load %arg4[%get3A_20, %get3A_21] : memref<256x16xf32, #tpu.memory_space<vmem>>, vector<256x16xf32>
    %get3A_23 = arith.constant 0 : index
    %get3A_24 = arith.constant 0 : index
    %get3A_25 = vector.load %arg6[%get3A_23, %get3A_24] : memref<16x18xf32, #tpu.memory_space<vmem>>, vector<16x18xf32>
    %broadcast_in_dim3A_26 = vector.shape_cast %get3A_19 : vector<256x16xf32> to vector<256x16x1xf32>
    %slice3A_27 = vector.extract_strided_slice %get3A_25 {offsets = [0, 0], sizes = [16, 1], strides = [1, 1]} : vector<16x18xf32> to vector<16x1xf32>
    %squeeze3A = vector.shape_cast %slice3A_27 : vector<16x1xf32> to vector<16xf32>
    %broadcast_in_dim3A_28 = vector.shape_cast %squeeze3A : vector<16xf32> to vector<1x1x16xf32>
    %mul3A_29 = vector.broadcast %broadcast_in_dim3A_26 : vector<256x16x1xf32> to vector<256x16x16xf32>
    %mul3A_30 = vector.broadcast %broadcast_in_dim3A_28 : vector<1x1x16xf32> to vector<256x16x16xf32>
    %mul3A_31 = arith.mulf %mul3A_29, %mul3A_30 : vector<256x16x16xf32>
    %mul3A_32 = arith.constant 1.000000e+00 : f32
    %mul3A_33 = vector.broadcast %mul3A_32 : f32 to vector<256x16xf32>
    %mul3A_34 = arith.mulf %get3A_22, %mul3A_33 : vector<256x16xf32>
    %broadcast_in_dim3A_35 = vector.shape_cast %mul3A_34 : vector<256x16xf32> to vector<256x16x1xf32>
    %slice3A_36 = vector.extract_strided_slice %get3A_25 {offsets = [0, 1], sizes = [16, 1], strides = [1, 1]} : vector<16x18xf32> to vector<16x1xf32>
    %squeeze3A_37 = vector.shape_cast %slice3A_36 : vector<16x1xf32> to vector<16xf32>
    %broadcast_in_dim3A_38 = vector.shape_cast %squeeze3A_37 : vector<16xf32> to vector<1x1x16xf32>
    %mul3A_39 = vector.broadcast %broadcast_in_dim3A_35 : vector<256x16x1xf32> to vector<256x16x16xf32>
    %mul3A_40 = vector.broadcast %broadcast_in_dim3A_38 : vector<1x1x16xf32> to vector<256x16x16xf32>
    %mul3A_41 = arith.mulf %mul3A_39, %mul3A_40 : vector<256x16x16xf32>
    %add3A_42 = arith.addf %mul3A_31, %mul3A_41 : vector<256x16x16xf32>
    %slice3A_43 = vector.extract_strided_slice %get3A_25 {offsets = [0, 2], sizes = [16, 8], strides = [1, 1]} : vector<16x18xf32> to vector<16x8xf32>
    %reshape3A = vector.shape_cast %slice3A_16 : vector<256x16x8xf32> to vector<4096x8xf32>
    %transpose3A = tpu.transpose %slice3A_43, [1, 0] : vector<16x8xf32> -> vector<8x16xf32>
    %dot_general3A = arith.constant dense<0.000000e+00> : vector<4096x16xf32>
    %dot_general3A_44 = tpu.matmul %reshape3A, %transpose3A, %dot_general3A {dimension_numbers = #tpu.dot_dimension_numbers<[1], [0], [0], [1], [0, 0, 1, 1], [], []>, transpose_lhs_hint = false} : vector<4096x8xf32>, vector<8x16xf32>, vector<4096x16xf32> -> vector<4096x16xf32>
    %reshape3A_45 = vector.shape_cast %dot_general3A_44 : vector<4096x16xf32> to vector<256x16x16xf32>
    %add3A_46 = arith.addf %add3A_42, %reshape3A_45 : vector<256x16x16xf32>
    %slice3A_47 = vector.extract_strided_slice %get3A_25 {offsets = [0, 10], sizes = [16, 8], strides = [1, 1]} : vector<16x18xf32> to vector<16x8xf32>
    %reshape3A_48 = vector.shape_cast %max3A_11 : vector<256x16x8xf32> to vector<4096x8xf32>
    %transpose3A_49 = tpu.transpose %slice3A_47, [1, 0] : vector<16x8xf32> -> vector<8x16xf32>
    %dot_general3A_50 = arith.constant dense<0.000000e+00> : vector<4096x16xf32>
    %dot_general3A_51 = tpu.matmul %reshape3A_48, %transpose3A_49, %dot_general3A_50 {dimension_numbers = #tpu.dot_dimension_numbers<[1], [0], [0], [1], [0, 0, 1, 1], [], []>, transpose_lhs_hint = false} : vector<4096x8xf32>, vector<8x16xf32>, vector<4096x16xf32> -> vector<4096x16xf32>
    %reshape3A_52 = vector.shape_cast %dot_general3A_51 : vector<4096x16xf32> to vector<256x16x16xf32>
    %add3A_53 = arith.addf %add3A_46, %reshape3A_52 : vector<256x16x16xf32>
    %reduce_max3A = arith.constant dense<0xFF800000> : vector<256x16xf32>
    %reduce_max3A_54 = vector.multi_reduction <maximumf>, %add3A_53, %reduce_max3A [1] : vector<256x16x16xf32> to vector<256x16xf32>
    %broadcast_in_dim3A_55 = vector.shape_cast %reduce_max3A_54 : vector<256x16xf32> to vector<256x1x16xf32>
    %sub3A = vector.broadcast %broadcast_in_dim3A_55 : vector<256x1x16xf32> to vector<256x16x16xf32>
    %sub3A_56 = arith.subf %add3A_53, %sub3A : vector<256x16x16xf32>
    %exp3A = math.exp %sub3A_56 : vector<256x16x16xf32>
    %reduce_sum3A = arith.constant dense<0.000000e+00> : vector<256x16xf32>
    %reduce_sum3A_57 = vector.multi_reduction <add>, %exp3A, %reduce_sum3A [1] : vector<256x16x16xf32> to vector<256x16xf32>
    %broadcast_in_dim3A_58 = vector.shape_cast %reduce_sum3A_57 : vector<256x16xf32> to vector<256x1x16xf32>
    %div3A = vector.broadcast %broadcast_in_dim3A_58 : vector<256x1x16xf32> to vector<256x16x16xf32>
    %div3A_59 = arith.divf %exp3A, %div3A : vector<256x16x16xf32>
    %concatenate3A = tpu.concatenate %slice3A_16, %max3A_11 in 2 : vector<256x16x8xf32>, vector<256x16x8xf32> -> vector<256x16x16xf32>
    %mul3A_60 = arith.mulf %concatenate3A, %div3A_59 : vector<256x16x16xf32>
    %reduce_sum3A_61 = arith.constant dense<0.000000e+00> : vector<256x16xf32>
    %reduce_sum3A_62 = vector.multi_reduction <add>, %mul3A_60, %reduce_sum3A_61 [1] : vector<256x16x16xf32> to vector<256x16xf32>
    %get3A_63 = arith.constant 0 : index
    %get3A_64 = arith.constant 0 : index
    %get3A_65 = vector.load %arg7[%get3A_63, %get3A_64] : memref<8x16xf32, #tpu.memory_space<vmem>>, vector<8x16xf32>
    %transpose3A_66 = tpu.transpose %get3A_65, [1, 0] : vector<8x16xf32> -> vector<16x8xf32>
    %dot_general3A_67 = arith.constant dense<0.000000e+00> : vector<256x8xf32>
    %dot_general3A_68 = tpu.matmul %reduce_sum3A_62, %transpose3A_66, %dot_general3A_67 {dimension_numbers = #tpu.dot_dimension_numbers<[1], [0], [0], [1], [0, 0, 1, 1], [], []>, transpose_lhs_hint = false} : vector<256x16xf32>, vector<16x8xf32>, vector<256x8xf32> -> vector<256x8xf32>
    %swap3A = arith.constant 0 : index
    %swap3A_69 = arith.constant 0 : index
    %swap3A_70 = vector.load %arg9[%swap3A, %swap3A_69] : memref<256x8xf32, #tpu.memory_space<vmem>>, vector<256x8xf32>
    tpu.vector_store %arg9[%swap3A, %swap3A_69], %dot_general3A_68 {strides = array<i32>} : memref<256x8xf32, #tpu.memory_space<vmem>>, vector<256x8xf32>,
    %reduce_sum3A_71 = arith.constant dense<0.000000e+00> : vector<8xf32>
    %reduce_sum3A_72 = vector.multi_reduction <add>, %dot_general3A_68, %reduce_sum3A_71 [0] : vector<256x8xf32> to vector<8xf32>
    %mul3A_73 = arith.mulf %dot_general3A_68, %dot_general3A_68 : vector<256x8xf32>
    %reduce_sum3A_74 = arith.constant dense<0.000000e+00> : vector<8xf32>
    %reduce_sum3A_75 = vector.multi_reduction <add>, %mul3A_73, %reduce_sum3A_74 [0] : vector<256x8xf32> to vector<8xf32>
    %broadcast_in_dim3A_76 = arith.constant 0.000000e+00 : f32
    %broadcast_in_dim3A_77 = vector.broadcast %broadcast_in_dim3A_76 : f32 to vector<6x8xf32>
    %broadcast_in_dim3A_78 = vector.shape_cast %reduce_sum3A_72 : vector<8xf32> to vector<1x8xf32>
    %broadcast_in_dim3A_79 = vector.shape_cast %reduce_sum3A_75 : vector<8xf32> to vector<1x8xf32>
    %concatenate3A_80 = tpu.concatenate %broadcast_in_dim3A_78, %broadcast_in_dim3A_79, %broadcast_in_dim3A_77 in 0 : vector<1x8xf32>, vector<1x8xf32>, vector<6x8xf32> -> vector<8x8xf32>
    %eq3A = arith.constant 0 : i32
    %eq3A_81 = arith.cmpi eq, %arg0, %eq3A : i32
    %convert_element_type3A = arith.extui %eq3A_81 : i1 to i32
    %cond3A = arith.constant 0 : i32
    %cond3A_82 = arith.cmpi ne, %convert_element_type3A, %cond3A : i32
    scf.if %cond3A_82 {
      %broadcast_in_dim3A_124 = arith.constant 0.000000e+00 : f32
      %broadcast_in_dim3A_125 = vector.broadcast %broadcast_in_dim3A_124 : f32 to vector<8x8xf32>
      %swap3A_126 = arith.constant 0 : index
      %swap3A_127 = arith.constant 0 : index
      %swap3A_128 = vector.load %arg11[%swap3A_126, %swap3A_127] : memref<8x8xf32, #tpu.memory_space<vmem>>, vector<8x8xf32>
      tpu.vector_store %arg11[%swap3A_126, %swap3A_127], %broadcast_in_dim3A_125 {strides = array<i32>} : memref<8x8xf32, #tpu.memory_space<vmem>>, vector<8x8xf32>,
    } else {
    }
    %get3A_83 = arith.constant 0 : index
    %get3A_84 = arith.constant 0 : index
    %get3A_85 = vector.load %arg11[%get3A_83, %get3A_84] : memref<8x8xf32, #tpu.memory_space<vmem>>, vector<8x8xf32>
    %add3A_86 = arith.addf %get3A_85, %concatenate3A_80 : vector<8x8xf32>
    %swap3A_87 = arith.constant 0 : index
    %swap3A_88 = arith.constant 0 : index
    %swap3A_89 = vector.load %arg11[%swap3A_87, %swap3A_88] : memref<8x8xf32, #tpu.memory_space<vmem>>, vector<8x8xf32>
    tpu.vector_store %arg11[%swap3A_87, %swap3A_88], %add3A_86 {strides = array<i32>} : memref<8x8xf32, #tpu.memory_space<vmem>>, vector<8x8xf32>,
    %get3A_90 = arith.constant 0 : index
    %get3A_91 = arith.constant 0 : index
    %get3A_92 = vector.load %arg8[%get3A_90, %get3A_91] : memref<8x8xf32, #tpu.memory_space<vmem>>, vector<8x8xf32>
    %reshape3A_93 = vector.shape_cast %max3A_11 : vector<256x16x8xf32> to vector<4096x8xf32>
    %transpose3A_94 = tpu.transpose %get3A_92, [1, 0] : vector<8x8xf32> -> vector<8x8xf32>
    %dot_general3A_95 = arith.constant dense<0.000000e+00> : vector<4096x8xf32>
    %dot_general3A_96 = tpu.matmul %reshape3A_93, %transpose3A_94, %dot_general3A_95 {dimension_numbers = #tpu.dot_dimension_numbers<[1], [0], [0], [1], [0, 0, 1, 1], [], []>, transpose_lhs_hint = false} : vector<4096x8xf32>, vector<8x8xf32>, vector<4096x8xf32> -> vector<4096x8xf32>
    %reshape3A_97 = vector.shape_cast %dot_general3A_96 : vector<4096x8xf32> to vector<256x16x8xf32>
    %swap3A_98 = arith.constant 0 : index
    %swap3A_99 = arith.constant 0 : index
    %swap3A_100 = arith.constant 0 : index
    %swap3A_101 = vector.load %arg10[%swap3A_98, %swap3A_99, %swap3A_100] : memref<256x16x8xf32, #tpu.memory_space<vmem>>, vector<256x16x8xf32>
    tpu.vector_store %arg10[%swap3A_98, %swap3A_99, %swap3A_100], %reshape3A_97 {strides = array<i32>} : memref<256x16x8xf32, #tpu.memory_space<vmem>>, vector<256x16x8xf32>,
    %reduce_sum3A_102 = arith.constant dense<0.000000e+00> : vector<8xf32>
    %reduce_sum3A_103 = vector.multi_reduction <add>, %reshape3A_97, %reduce_sum3A_102 [0, 1] : vector<256x16x8xf32> to vector<8xf32>
    %mul3A_104 = arith.mulf %reshape3A_97, %reshape3A_97 : vector<256x16x8xf32>
    %reduce_sum3A_105 = arith.constant dense<0.000000e+00> : vector<8xf32>
    %reduce_sum3A_106 = vector.multi_reduction <add>, %mul3A_104, %reduce_sum3A_105 [0, 1] : vector<256x16x8xf32> to vector<8xf32>
    %broadcast_in_dim3A_107 = arith.constant 0.000000e+00 : f32
    %broadcast_in_dim3A_108 = vector.broadcast %broadcast_in_dim3A_107 : f32 to vector<6x8xf32>
    %broadcast_in_dim3A_109 = vector.shape_cast %reduce_sum3A_103 : vector<8xf32> to vector<1x8xf32>
    %broadcast_in_dim3A_110 = vector.shape_cast %reduce_sum3A_106 : vector<8xf32> to vector<1x8xf32>
    %concatenate3A_111 = tpu.concatenate %broadcast_in_dim3A_109, %broadcast_in_dim3A_110, %broadcast_in_dim3A_108 in 0 : vector<1x8xf32>, vector<1x8xf32>, vector<6x8xf32> -> vector<8x8xf32>
    %eq3A_112 = arith.constant 0 : i32
    %eq3A_113 = arith.cmpi eq, %arg0, %eq3A_112 : i32
    %convert_element_type3A_114 = arith.extui %eq3A_113 : i1 to i32
    %cond3A_115 = arith.constant 0 : i32
    %cond3A_116 = arith.cmpi ne, %convert_element_type3A_114, %cond3A_115 : i32
    scf.if %cond3A_116 {
      %broadcast_in_dim3A_124 = arith.constant 0.000000e+00 : f32
      %broadcast_in_dim3A_125 = vector.broadcast %broadcast_in_dim3A_124 : f32 to vector<8x8xf32>
      %swap3A_126 = arith.constant 0 : index
      %swap3A_127 = arith.constant 0 : index
      %swap3A_128 = vector.load %arg12[%swap3A_126, %swap3A_127] : memref<8x8xf32, #tpu.memory_space<vmem>>, vector<8x8xf32>
      tpu.vector_store %arg12[%swap3A_126, %swap3A_127], %broadcast_in_dim3A_125 {strides = array<i32>} : memref<8x8xf32, #tpu.memory_space<vmem>>, vector<8x8xf32>,
    } else {
    }
    %get3A_117 = arith.constant 0 : index
    %get3A_118 = arith.constant 0 : index
    %get3A_119 = vector.load %arg12[%get3A_117, %get3A_118] : memref<8x8xf32, #tpu.memory_space<vmem>>, vector<8x8xf32>
    %add3A_120 = arith.addf %get3A_119, %concatenate3A_111 : vector<8x8xf32>
    %swap3A_121 = arith.constant 0 : index
    %swap3A_122 = arith.constant 0 : index
    %swap3A_123 = vector.load %arg12[%swap3A_121, %swap3A_122] : memref<8x8xf32, #tpu.memory_space<vmem>>, vector<8x8xf32>
    tpu.vector_store %arg12[%swap3A_121, %swap3A_122], %add3A_120 {strides = array<i32>} : memref<8x8xf32, #tpu.memory_space<vmem>>, vector<8x8xf32>,
    return
  }
  func.func @transform_0(%arg0: i32) -> (i32, i32, i32) {
    %c0_i32 = arith.constant 0 : i32
    %c0_i32_0 = arith.constant 0 : i32
    %c0_i32_1 = arith.constant 0 : i32
    return %arg0, %c0_i32, %c0_i32_0 : i32, i32, i32
  }
  func.func @transform_1(%arg0: i32) -> (i32, i32, i32) {
    %c0_i32 = arith.constant 0 : i32
    %c0_i32_0 = arith.constant 0 : i32
    %c0_i32_1 = arith.constant 0 : i32
    return %arg0, %c0_i32, %c0_i32_0 : i32, i32, i32
  }
  func.func @transform_2(%arg0: i32) -> (i32, i32) {
    %c0_i32 = arith.constant 0 : i32
    %c0_i32_0 = arith.constant 0 : i32
    return %arg0, %c0_i32 : i32, i32
  }
  func.func @transform_3(%arg0: i32) -> (i32, i32) {
    %c0_i32 = arith.constant 0 : i32
    %c0_i32_0 = arith.constant 0 : i32
    return %arg0, %c0_i32 : i32, i32
  }
  func.func @transform_4(%arg0: i32) -> (i32, i32) {
    %c0_i32 = arith.constant 0 : i32
    %c0_i32_0 = arith.constant 0 : i32
    %c0_i32_1 = arith.constant 0 : i32
    return %c0_i32, %c0_i32_0 : i32, i32
  }
  func.func @transform_5(%arg0: i32) -> (i32, i32) {
    %c0_i32 = arith.constant 0 : i32
    %c0_i32_0 = arith.constant 0 : i32
    %c0_i32_1 = arith.constant 0 : i32
    return %c0_i32, %c0_i32_0 : i32, i32
  }
  func.func @transform_6(%arg0: i32) -> (i32, i32) {
    %c0_i32 = arith.constant 0 : i32
    %c0_i32_0 = arith.constant 0 : i32
    %c0_i32_1 = arith.constant 0 : i32
    return %c0_i32, %c0_i32_0 : i32, i32
  }
  func.func @transform_7(%arg0: i32) -> (i32, i32) {
    %c0_i32 = arith.constant 0 : i32
    %c0_i32_0 = arith.constant 0 : i32
    %c0_i32_1 = arith.constant 0 : i32
    return %c0_i32, %c0_i32_0 : i32, i32
  }
  func.func @transform_8(%arg0: i32) -> (i32, i32) {
    %c0_i32 = arith.constant 0 : i32
    %c0_i32_0 = arith.constant 0 : i32
    return %arg0, %c0_i32 : i32, i32
  }
  func.func @transform_9(%arg0: i32) -> (i32, i32, i32) {
    %c0_i32 = arith.constant 0 : i32
    %c0_i32_0 = arith.constant 0 : i32
    %c0_i32_1 = arith.constant 0 : i32
    return %arg0, %c0_i32, %c0_i32_0 : i32, i32, i32
  }
  func.func @transform_10(%arg0: i32) -> (i32, i32) {
    %c0_i32 = arith.constant 0 : i32
    %c0_i32_0 = arith.constant 0 : i32
    %c0_i32_1 = arith.constant 0 : i32
    return %c0_i32, %c0_i32_0 : i32, i32
  }
  func.func @transform_11(%arg0: i32) -> (i32, i32) {
    %c0_i32 = arith.constant 0 : i32
    %c0_i32_0 = arith.constant 0 : i32
    %c0_i32_1 = arith.constant 0 : i32
    return %c0_i32, %c0_i32_0 : i32, i32
  }
}

module attributes {stable_mosaic.version = 14 : i64} {
  func.func @body(%arg0: i32, %arg1: memref<4096x8xf32, #tpu.memory_space<vmem>>, %arg2: memref<8x8xf32, #tpu.memory_space<vmem>>, %arg3: memref<4096x16xf32, #tpu.memory_space<vmem>>) attributes {dimension_semantics = [#tpu.dimension_semantics<arbitrary>], iteration_bounds = array<i64: 8>, scalar_prefetch = 0 : i64, scratch_operands = 0 : i64, tpu.core_type = #tpu.core_type<tc>, window_params = [{transform_indices = @transform_0, window_bounds = array<i64: 4096, 8>}, {pipeline_mode = #tpu.pipeline_mode<synchronous>, transform_indices = @transform_1, window_bounds = array<i64: 8, 8>}, {transform_indices = @transform_2, window_bounds = array<i64: 4096, 16>}]} {
    %get3A = arith.constant 0 : index
    %get3A_0 = arith.constant 0 : index
    %get3A_1 = vector.load %arg1[%get3A, %get3A_0] : memref<4096x8xf32, #tpu.memory_space<vmem>>, vector<4096x8xf32>
    %get3A_2 = arith.constant 0 : index
    %get3A_3 = arith.constant 0 : index
    %get3A_4 = vector.load %arg2[%get3A_2, %get3A_3] : memref<8x8xf32, #tpu.memory_space<vmem>>, vector<8x8xf32>
    %slice3A = vector.extract_strided_slice %get3A_4 {offsets = [0, 0], sizes = [1, 8], strides = [1, 1]} : vector<8x8xf32> to vector<1x8xf32>
    %slice3A_5 = vector.extract_strided_slice %get3A_4 {offsets = [1, 0], sizes = [1, 8], strides = [1, 1]} : vector<8x8xf32> to vector<1x8xf32>
    %mul3A = vector.broadcast %slice3A : vector<1x8xf32> to vector<4096x8xf32>
    %mul3A_6 = arith.mulf %get3A_1, %mul3A : vector<4096x8xf32>
    %add3A = vector.broadcast %slice3A_5 : vector<1x8xf32> to vector<4096x8xf32>
    %add3A_7 = arith.addf %mul3A_6, %add3A : vector<4096x8xf32>
    %max3A = arith.constant 0.000000e+00 : f32
    %max3A_8 = vector.broadcast %max3A : f32 to vector<4096x8xf32>
    %max3A_9 = arith.maximumf %add3A_7, %max3A_8 : vector<4096x8xf32>
    %broadcast_in_dim3A = arith.constant 0.000000e+00 : f32
    %broadcast_in_dim3A_10 = vector.broadcast %broadcast_in_dim3A : f32 to vector<4096x8xf32>
    %concatenate3A = tpu.concatenate %max3A_9, %broadcast_in_dim3A_10 in 1 : vector<4096x8xf32>, vector<4096x8xf32> -> vector<4096x16xf32>
    %swap3A = arith.constant 0 : index
    %swap3A_11 = arith.constant 0 : index
    %swap3A_12 = vector.load %arg3[%swap3A, %swap3A_11] : memref<4096x16xf32, #tpu.memory_space<vmem>>, vector<4096x16xf32>
    tpu.vector_store %arg3[%swap3A, %swap3A_11], %concatenate3A {strides = array<i32>} : memref<4096x16xf32, #tpu.memory_space<vmem>>, vector<4096x16xf32>,
    return
  }
  func.func @transform_0(%arg0: i32) -> (i32, i32) {
    %c0_i32 = arith.constant 0 : i32
    %c0_i32_0 = arith.constant 0 : i32
    return %arg0, %c0_i32 : i32, i32
  }
  func.func @transform_1(%arg0: i32) -> (i32, i32) {
    %c0_i32 = arith.constant 0 : i32
    %c0_i32_0 = arith.constant 0 : i32
    %c0_i32_1 = arith.constant 0 : i32
    return %c0_i32, %c0_i32_0 : i32, i32
  }
  func.func @transform_2(%arg0: i32) -> (i32, i32) {
    %c0_i32 = arith.constant 0 : i32
    %c0_i32_0 = arith.constant 0 : i32
    return %arg0, %c0_i32 : i32, i32
  }
}

module attributes {stable_mosaic.version = 14 : i64} {
  func.func @body(%arg0: i32, %arg1: memref<256x16x16xf32, #tpu.memory_space<vmem>>, %arg2: memref<256x16xf32, #tpu.memory_space<vmem>>, %arg3: memref<256x16x8xf32, #tpu.memory_space<vmem>>, %arg4: memref<8x8xf32, #tpu.memory_space<vmem>>, %arg5: memref<256x16xf32, #tpu.memory_space<vmem>>, %arg6: memref<16x18xf32, #tpu.memory_space<vmem>>, %arg7: memref<16x16xf32, #tpu.memory_space<vmem>>, %arg8: memref<256x16xf32, #tpu.memory_space<vmem>>, %arg9: memref<8x16xf32, #tpu.memory_space<vmem>>) attributes {dimension_semantics = [#tpu.dimension_semantics<arbitrary>], iteration_bounds = array<i64: 128>, scalar_prefetch = 0 : i64, scratch_operands = 0 : i64, tpu.core_type = #tpu.core_type<tc>, window_params = [{transform_indices = @transform_0, window_bounds = array<i64: 256, 16, 16>}, {transform_indices = @transform_1, window_bounds = array<i64: 256, 16>}, {transform_indices = @transform_2, window_bounds = array<i64: 256, 16, 8>}, {pipeline_mode = #tpu.pipeline_mode<synchronous>, transform_indices = @transform_3, window_bounds = array<i64: 8, 8>}, {transform_indices = @transform_4, window_bounds = array<i64: 256, 16>}, {pipeline_mode = #tpu.pipeline_mode<synchronous>, transform_indices = @transform_5, window_bounds = array<i64: 16, 18>}, {pipeline_mode = #tpu.pipeline_mode<synchronous>, transform_indices = @transform_6, window_bounds = array<i64: 16, 16>}, {transform_indices = @transform_7, window_bounds = array<i64: 256, 16>}, {pipeline_mode = #tpu.pipeline_mode<synchronous>, transform_indices = @transform_8, window_bounds = array<i64: 8, 16>}]} {
    %get3A = arith.constant 0 : index
    %get3A_0 = arith.constant 0 : index
    %get3A_1 = arith.constant 0 : index
    %get3A_2 = vector.load %arg3[%get3A, %get3A_0, %get3A_1] : memref<256x16x8xf32, #tpu.memory_space<vmem>>, vector<256x16x8xf32>
    %get3A_3 = arith.constant 0 : index
    %get3A_4 = arith.constant 0 : index
    %get3A_5 = vector.load %arg4[%get3A_3, %get3A_4] : memref<8x8xf32, #tpu.memory_space<vmem>>, vector<8x8xf32>
    %slice3A = vector.extract_strided_slice %get3A_5 {offsets = [0, 0], sizes = [1, 8], strides = [1, 1]} : vector<8x8xf32> to vector<1x8xf32>
    %slice3A_6 = vector.extract_strided_slice %get3A_5 {offsets = [1, 0], sizes = [1, 8], strides = [1, 1]} : vector<8x8xf32> to vector<1x8xf32>
    %broadcast_in_dim3A = vector.shape_cast %slice3A : vector<1x8xf32> to vector<1x1x8xf32>
    %broadcast_in_dim3A_7 = vector.shape_cast %slice3A_6 : vector<1x8xf32> to vector<1x1x8xf32>
    %mul3A = vector.broadcast %broadcast_in_dim3A : vector<1x1x8xf32> to vector<256x16x8xf32>
    %mul3A_8 = arith.mulf %get3A_2, %mul3A : vector<256x16x8xf32>
    %add3A = vector.broadcast %broadcast_in_dim3A_7 : vector<1x1x8xf32> to vector<256x16x8xf32>
    %add3A_9 = arith.addf %mul3A_8, %add3A : vector<256x16x8xf32>
    %max3A = arith.constant 0.000000e+00 : f32
    %max3A_10 = vector.broadcast %max3A : f32 to vector<256x16x8xf32>
    %max3A_11 = arith.maximumf %add3A_9, %max3A_10 : vector<256x16x8xf32>
    %get3A_12 = arith.constant 0 : index
    %get3A_13 = arith.constant 0 : index
    %get3A_14 = arith.constant 0 : index
    %get3A_15 = vector.load %arg1[%get3A_12, %get3A_13, %get3A_14] : memref<256x16x16xf32, #tpu.memory_space<vmem>>, vector<256x16x16xf32>
    %slice3A_16 = vector.extract_strided_slice %get3A_15 {offsets = [0, 0, 0], sizes = [256, 16, 8], strides = [1, 1, 1]} : vector<256x16x16xf32> to vector<256x16x8xf32>
    %get3A_17 = arith.constant 0 : index
    %get3A_18 = arith.constant 0 : index
    %get3A_19 = vector.load %arg2[%get3A_17, %get3A_18] : memref<256x16xf32, #tpu.memory_space<vmem>>, vector<256x16xf32>
    %slice3A_20 = vector.extract_strided_slice %get3A_19 {offsets = [0, 0], sizes = [256, 8], strides = [1, 1]} : vector<256x16xf32> to vector<256x8xf32>
    %broadcast_in_dim3A_21 = vector.shape_cast %slice3A_20 : vector<256x8xf32> to vector<256x1x8xf32>
    %sub3A = vector.broadcast %broadcast_in_dim3A_21 : vector<256x1x8xf32> to vector<256x16x8xf32>
    %sub3A_22 = arith.subf %sub3A, %slice3A_16 : vector<256x16x8xf32>
    %abs3A = math.absf %sub3A_22 : vector<256x16x8xf32>
    %reduce_sum3A = arith.constant dense<0.000000e+00> : vector<256x16xf32>
    %reduce_sum3A_23 = vector.multi_reduction <add>, %abs3A, %reduce_sum3A [2] : vector<256x16x8xf32> to vector<256x16xf32>
    %div3A = arith.constant 8.000000e+00 : f32
    %div3A_24 = vector.broadcast %div3A : f32 to vector<256x16xf32>
    %div3A_25 = arith.divf %reduce_sum3A_23, %div3A_24 : vector<256x16xf32>
    %neg3A = arith.constant 0.000000e+00 : f32
    %neg3A_26 = vector.broadcast %neg3A : f32 to vector<256x16xf32>
    %neg3A_27 = arith.subf %neg3A_26, %div3A_25 : vector<256x16xf32>
    %exp3A = math.exp %neg3A_27 : vector<256x16xf32>
    %get3A_28 = arith.constant 0 : index
    %get3A_29 = arith.constant 0 : index
    %get3A_30 = vector.load %arg5[%get3A_28, %get3A_29] : memref<256x16xf32, #tpu.memory_space<vmem>>, vector<256x16xf32>
    %get3A_31 = arith.constant 0 : index
    %get3A_32 = arith.constant 0 : index
    %get3A_33 = vector.load %arg6[%get3A_31, %get3A_32] : memref<16x18xf32, #tpu.memory_space<vmem>>, vector<16x18xf32>
    %broadcast_in_dim3A_34 = vector.shape_cast %get3A_30 : vector<256x16xf32> to vector<256x16x1xf32>
    %slice3A_35 = vector.extract_strided_slice %get3A_33 {offsets = [0, 0], sizes = [16, 1], strides = [1, 1]} : vector<16x18xf32> to vector<16x1xf32>
    %squeeze3A = vector.shape_cast %slice3A_35 : vector<16x1xf32> to vector<16xf32>
    %broadcast_in_dim3A_36 = vector.shape_cast %squeeze3A : vector<16xf32> to vector<1x1x16xf32>
    %mul3A_37 = vector.broadcast %broadcast_in_dim3A_34 : vector<256x16x1xf32> to vector<256x16x16xf32>
    %mul3A_38 = vector.broadcast %broadcast_in_dim3A_36 : vector<1x1x16xf32> to vector<256x16x16xf32>
    %mul3A_39 = arith.mulf %mul3A_37, %mul3A_38 : vector<256x16x16xf32>
    %mul3A_40 = arith.constant 1.000000e+00 : f32
    %mul3A_41 = vector.broadcast %mul3A_40 : f32 to vector<256x16xf32>
    %mul3A_42 = arith.mulf %exp3A, %mul3A_41 : vector<256x16xf32>
    %broadcast_in_dim3A_43 = vector.shape_cast %mul3A_42 : vector<256x16xf32> to vector<256x16x1xf32>
    %slice3A_44 = vector.extract_strided_slice %get3A_33 {offsets = [0, 1], sizes = [16, 1], strides = [1, 1]} : vector<16x18xf32> to vector<16x1xf32>
    %squeeze3A_45 = vector.shape_cast %slice3A_44 : vector<16x1xf32> to vector<16xf32>
    %broadcast_in_dim3A_46 = vector.shape_cast %squeeze3A_45 : vector<16xf32> to vector<1x1x16xf32>
    %mul3A_47 = vector.broadcast %broadcast_in_dim3A_43 : vector<256x16x1xf32> to vector<256x16x16xf32>
    %mul3A_48 = vector.broadcast %broadcast_in_dim3A_46 : vector<1x1x16xf32> to vector<256x16x16xf32>
    %mul3A_49 = arith.mulf %mul3A_47, %mul3A_48 : vector<256x16x16xf32>
    %add3A_50 = arith.addf %mul3A_39, %mul3A_49 : vector<256x16x16xf32>
    %slice3A_51 = vector.extract_strided_slice %get3A_33 {offsets = [0, 2], sizes = [16, 8], strides = [1, 1]} : vector<16x18xf32> to vector<16x8xf32>
    %reshape3A = vector.shape_cast %slice3A_16 : vector<256x16x8xf32> to vector<4096x8xf32>
    %transpose3A = tpu.transpose %slice3A_51, [1, 0] : vector<16x8xf32> -> vector<8x16xf32>
    %dot_general3A = arith.constant dense<0.000000e+00> : vector<4096x16xf32>
    %dot_general3A_52 = tpu.matmul %reshape3A, %transpose3A, %dot_general3A {dimension_numbers = #tpu.dot_dimension_numbers<[1], [0], [0], [1], [0, 0, 1, 1], [], []>, transpose_lhs_hint = false} : vector<4096x8xf32>, vector<8x16xf32>, vector<4096x16xf32> -> vector<4096x16xf32>
    %reshape3A_53 = vector.shape_cast %dot_general3A_52 : vector<4096x16xf32> to vector<256x16x16xf32>
    %add3A_54 = arith.addf %add3A_50, %reshape3A_53 : vector<256x16x16xf32>
    %slice3A_55 = vector.extract_strided_slice %get3A_33 {offsets = [0, 10], sizes = [16, 8], strides = [1, 1]} : vector<16x18xf32> to vector<16x8xf32>
    %reshape3A_56 = vector.shape_cast %max3A_11 : vector<256x16x8xf32> to vector<4096x8xf32>
    %transpose3A_57 = tpu.transpose %slice3A_55, [1, 0] : vector<16x8xf32> -> vector<8x16xf32>
    %dot_general3A_58 = arith.constant dense<0.000000e+00> : vector<4096x16xf32>
    %dot_general3A_59 = tpu.matmul %reshape3A_56, %transpose3A_57, %dot_general3A_58 {dimension_numbers = #tpu.dot_dimension_numbers<[1], [0], [0], [1], [0, 0, 1, 1], [], []>, transpose_lhs_hint = false} : vector<4096x8xf32>, vector<8x16xf32>, vector<4096x16xf32> -> vector<4096x16xf32>
    %reshape3A_60 = vector.shape_cast %dot_general3A_59 : vector<4096x16xf32> to vector<256x16x16xf32>
    %add3A_61 = arith.addf %add3A_54, %reshape3A_60 : vector<256x16x16xf32>
    %reduce_max3A = arith.constant dense<0xFF800000> : vector<256x16xf32>
    %reduce_max3A_62 = vector.multi_reduction <maximumf>, %add3A_61, %reduce_max3A [1] : vector<256x16x16xf32> to vector<256x16xf32>
    %broadcast_in_dim3A_63 = vector.shape_cast %reduce_max3A_62 : vector<256x16xf32> to vector<256x1x16xf32>
    %sub3A_64 = vector.broadcast %broadcast_in_dim3A_63 : vector<256x1x16xf32> to vector<256x16x16xf32>
    %sub3A_65 = arith.subf %add3A_61, %sub3A_64 : vector<256x16x16xf32>
    %exp3A_66 = math.exp %sub3A_65 : vector<256x16x16xf32>
    %reduce_sum3A_67 = arith.constant dense<0.000000e+00> : vector<256x16xf32>
    %reduce_sum3A_68 = vector.multi_reduction <add>, %exp3A_66, %reduce_sum3A_67 [1] : vector<256x16x16xf32> to vector<256x16xf32>
    %broadcast_in_dim3A_69 = vector.shape_cast %reduce_sum3A_68 : vector<256x16xf32> to vector<256x1x16xf32>
    %div3A_70 = vector.broadcast %broadcast_in_dim3A_69 : vector<256x1x16xf32> to vector<256x16x16xf32>
    %div3A_71 = arith.divf %exp3A_66, %div3A_70 : vector<256x16x16xf32>
    %concatenate3A = tpu.concatenate %slice3A_16, %max3A_11 in 2 : vector<256x16x8xf32>, vector<256x16x8xf32> -> vector<256x16x16xf32>
    %mul3A_72 = arith.mulf %concatenate3A, %div3A_71 : vector<256x16x16xf32>
    %reduce_sum3A_73 = arith.constant dense<0.000000e+00> : vector<256x16xf32>
    %reduce_sum3A_74 = vector.multi_reduction <add>, %mul3A_72, %reduce_sum3A_73 [1] : vector<256x16x16xf32> to vector<256x16xf32>
    %get3A_75 = arith.constant 0 : index
    %get3A_76 = arith.constant 0 : index
    %get3A_77 = vector.load %arg7[%get3A_75, %get3A_76] : memref<16x16xf32, #tpu.memory_space<vmem>>, vector<16x16xf32>
    %transpose3A_78 = tpu.transpose %get3A_77, [1, 0] : vector<16x16xf32> -> vector<16x16xf32>
    %dot_general3A_79 = arith.constant dense<0.000000e+00> : vector<256x16xf32>
    %dot_general3A_80 = tpu.matmul %reduce_sum3A_74, %transpose3A_78, %dot_general3A_79 {dimension_numbers = #tpu.dot_dimension_numbers<[1], [0], [0], [1], [0, 0, 1, 1], [], []>, transpose_lhs_hint = false} : vector<256x16xf32>, vector<16x16xf32>, vector<256x16xf32> -> vector<256x16xf32>
    %swap3A = arith.constant 0 : index
    %swap3A_81 = arith.constant 0 : index
    %swap3A_82 = vector.load %arg8[%swap3A, %swap3A_81] : memref<256x16xf32, #tpu.memory_space<vmem>>, vector<256x16xf32>
    tpu.vector_store %arg8[%swap3A, %swap3A_81], %dot_general3A_80 {strides = array<i32>} : memref<256x16xf32, #tpu.memory_space<vmem>>, vector<256x16xf32>,
    %reduce_sum3A_83 = arith.constant dense<0.000000e+00> : vector<16xf32>
    %reduce_sum3A_84 = vector.multi_reduction <add>, %dot_general3A_80, %reduce_sum3A_83 [0] : vector<256x16xf32> to vector<16xf32>
    %mul3A_85 = arith.mulf %dot_general3A_80, %dot_general3A_80 : vector<256x16xf32>
    %reduce_sum3A_86 = arith.constant dense<0.000000e+00> : vector<16xf32>
    %reduce_sum3A_87 = vector.multi_reduction <add>, %mul3A_85, %reduce_sum3A_86 [0] : vector<256x16xf32> to vector<16xf32>
    %broadcast_in_dim3A_88 = arith.constant 0.000000e+00 : f32
    %broadcast_in_dim3A_89 = vector.broadcast %broadcast_in_dim3A_88 : f32 to vector<6x16xf32>
    %broadcast_in_dim3A_90 = vector.shape_cast %reduce_sum3A_84 : vector<16xf32> to vector<1x16xf32>
    %broadcast_in_dim3A_91 = vector.shape_cast %reduce_sum3A_87 : vector<16xf32> to vector<1x16xf32>
    %concatenate3A_92 = tpu.concatenate %broadcast_in_dim3A_90, %broadcast_in_dim3A_91, %broadcast_in_dim3A_89 in 0 : vector<1x16xf32>, vector<1x16xf32>, vector<6x16xf32> -> vector<8x16xf32>
    %eq3A = arith.constant 0 : i32
    %eq3A_93 = arith.cmpi eq, %arg0, %eq3A : i32
    %convert_element_type3A = arith.extui %eq3A_93 : i1 to i32
    %cond3A = arith.constant 0 : i32
    %cond3A_94 = arith.cmpi ne, %convert_element_type3A, %cond3A : i32
    scf.if %cond3A_94 {
      %broadcast_in_dim3A_102 = arith.constant 0.000000e+00 : f32
      %broadcast_in_dim3A_103 = vector.broadcast %broadcast_in_dim3A_102 : f32 to vector<8x16xf32>
      %swap3A_104 = arith.constant 0 : index
      %swap3A_105 = arith.constant 0 : index
      %swap3A_106 = vector.load %arg9[%swap3A_104, %swap3A_105] : memref<8x16xf32, #tpu.memory_space<vmem>>, vector<8x16xf32>
      tpu.vector_store %arg9[%swap3A_104, %swap3A_105], %broadcast_in_dim3A_103 {strides = array<i32>} : memref<8x16xf32, #tpu.memory_space<vmem>>, vector<8x16xf32>,
    } else {
    }
    %get3A_95 = arith.constant 0 : index
    %get3A_96 = arith.constant 0 : index
    %get3A_97 = vector.load %arg9[%get3A_95, %get3A_96] : memref<8x16xf32, #tpu.memory_space<vmem>>, vector<8x16xf32>
    %add3A_98 = arith.addf %get3A_97, %concatenate3A_92 : vector<8x16xf32>
    %swap3A_99 = arith.constant 0 : index
    %swap3A_100 = arith.constant 0 : index
    %swap3A_101 = vector.load %arg9[%swap3A_99, %swap3A_100] : memref<8x16xf32, #tpu.memory_space<vmem>>, vector<8x16xf32>
    tpu.vector_store %arg9[%swap3A_99, %swap3A_100], %add3A_98 {strides = array<i32>} : memref<8x16xf32, #tpu.memory_space<vmem>>, vector<8x16xf32>,
    return
  }
  func.func @transform_0(%arg0: i32) -> (i32, i32, i32) {
    %c0_i32 = arith.constant 0 : i32
    %c0_i32_0 = arith.constant 0 : i32
    %c0_i32_1 = arith.constant 0 : i32
    return %arg0, %c0_i32, %c0_i32_0 : i32, i32, i32
  }
  func.func @transform_1(%arg0: i32) -> (i32, i32) {
    %c0_i32 = arith.constant 0 : i32
    %c0_i32_0 = arith.constant 0 : i32
    return %arg0, %c0_i32 : i32, i32
  }
  func.func @transform_2(%arg0: i32) -> (i32, i32, i32) {
    %c0_i32 = arith.constant 0 : i32
    %c0_i32_0 = arith.constant 0 : i32
    %c0_i32_1 = arith.constant 0 : i32
    return %arg0, %c0_i32, %c0_i32_0 : i32, i32, i32
  }
  func.func @transform_3(%arg0: i32) -> (i32, i32) {
    %c0_i32 = arith.constant 0 : i32
    %c0_i32_0 = arith.constant 0 : i32
    %c0_i32_1 = arith.constant 0 : i32
    return %c0_i32, %c0_i32_0 : i32, i32
  }
  func.func @transform_4(%arg0: i32) -> (i32, i32) {
    %c0_i32 = arith.constant 0 : i32
    %c0_i32_0 = arith.constant 0 : i32
    return %arg0, %c0_i32 : i32, i32
  }
  func.func @transform_5(%arg0: i32) -> (i32, i32) {
    %c0_i32 = arith.constant 0 : i32
    %c0_i32_0 = arith.constant 0 : i32
    %c0_i32_1 = arith.constant 0 : i32
    return %c0_i32, %c0_i32_0 : i32, i32
  }
  func.func @transform_6(%arg0: i32) -> (i32, i32) {
    %c0_i32 = arith.constant 0 : i32
    %c0_i32_0 = arith.constant 0 : i32
    %c0_i32_1 = arith.constant 0 : i32
    return %c0_i32, %c0_i32_0 : i32, i32
  }
  func.func @transform_7(%arg0: i32) -> (i32, i32) {
    %c0_i32 = arith.constant 0 : i32
    %c0_i32_0 = arith.constant 0 : i32
    return %arg0, %c0_i32 : i32, i32
  }
  func.func @transform_8(%arg0: i32) -> (i32, i32) {
    %c0_i32 = arith.constant 0 : i32
    %c0_i32_0 = arith.constant 0 : i32
    %c0_i32_1 = arith.constant 0 : i32
    return %c0_i32, %c0_i32_0 : i32, i32
  }
}

module attributes {stable_mosaic.version = 14 : i64} {
  func.func @body(%arg0: i32, %arg1: memref<4096x16xf32, #tpu.memory_space<vmem>>, %arg2: memref<8x16xf32, #tpu.memory_space<vmem>>, %arg3: memref<4096x8xf32, #tpu.memory_space<vmem>>, %arg4: memref<4096x4xf32, #tpu.memory_space<vmem>>, %arg5: memref<4096x8xf32, #tpu.memory_space<vmem>>, %arg6: memref<32x16xf32, #tpu.memory_space<vmem>>, %arg7: memref<32x8xf32, #tpu.memory_space<vmem>>, %arg8: memref<32x4xf32, #tpu.memory_space<vmem>>, %arg9: memref<4096x32xf32, #tpu.memory_space<vmem>>, %arg10: memref<4096x32xf32, #tpu.memory_space<vmem>>, %arg11: memref<4096x32xf32, #tpu.memory_space<vmem>>, %arg12: memref<8x32xf32, #tpu.memory_space<vmem>>, %arg13: memref<8x32xf32, #tpu.memory_space<vmem>>, %arg14: memref<8x32xf32, #tpu.memory_space<vmem>>) attributes {dimension_semantics = [#tpu.dimension_semantics<arbitrary>], iteration_bounds = array<i64: 8>, scalar_prefetch = 0 : i64, scratch_operands = 0 : i64, tpu.core_type = #tpu.core_type<tc>, window_params = [{transform_indices = @transform_0, window_bounds = array<i64: 4096, 16>}, {pipeline_mode = #tpu.pipeline_mode<synchronous>, transform_indices = @transform_1, window_bounds = array<i64: 8, 16>}, {transform_indices = @transform_2, window_bounds = array<i64: 4096, 8>}, {transform_indices = @transform_3, window_bounds = array<i64: 4096, 4>}, {transform_indices = @transform_4, window_bounds = array<i64: 4096, 8>}, {pipeline_mode = #tpu.pipeline_mode<synchronous>, transform_indices = @transform_5, window_bounds = array<i64: 32, 16>}, {pipeline_mode = #tpu.pipeline_mode<synchronous>, transform_indices = @transform_6, window_bounds = array<i64: 32, 8>}, {pipeline_mode = #tpu.pipeline_mode<synchronous>, transform_indices = @transform_7, window_bounds = array<i64: 32, 4>}, {transform_indices = @transform_8, window_bounds = array<i64: 4096, 32>}, {transform_indices = @transform_9, window_bounds = array<i64: 4096, 32>}, {transform_indices = @transform_10, window_bounds = array<i64: 4096, 32>}, {pipeline_mode = #tpu.pipeline_mode<synchronous>, transform_indices = @transform_11, window_bounds = array<i64: 8, 32>}, {pipeline_mode = #tpu.pipeline_mode<synchronous>, transform_indices = @transform_12, window_bounds = array<i64: 8, 32>}, {pipeline_mode = #tpu.pipeline_mode<synchronous>, transform_indices = @transform_13, window_bounds = array<i64: 8, 32>}]} {
    %get3A = arith.constant 0 : index
    %get3A_0 = arith.constant 0 : index
    %get3A_1 = vector.load %arg1[%get3A, %get3A_0] : memref<4096x16xf32, #tpu.memory_space<vmem>>, vector<4096x16xf32>
    %get3A_2 = arith.constant 0 : index
    %get3A_3 = arith.constant 0 : index
    %get3A_4 = vector.load %arg2[%get3A_2, %get3A_3] : memref<8x16xf32, #tpu.memory_space<vmem>>, vector<8x16xf32>
    %slice3A = vector.extract_strided_slice %get3A_4 {offsets = [0, 0], sizes = [1, 16], strides = [1, 1]} : vector<8x16xf32> to vector<1x16xf32>
    %slice3A_5 = vector.extract_strided_slice %get3A_4 {offsets = [1, 0], sizes = [1, 16], strides = [1, 1]} : vector<8x16xf32> to vector<1x16xf32>
    %mul3A = vector.broadcast %slice3A : vector<1x16xf32> to vector<4096x16xf32>
    %mul3A_6 = arith.mulf %get3A_1, %mul3A : vector<4096x16xf32>
    %add3A = vector.broadcast %slice3A_5 : vector<1x16xf32> to vector<4096x16xf32>
    %add3A_7 = arith.addf %mul3A_6, %add3A : vector<4096x16xf32>
    %max3A = arith.constant 0.000000e+00 : f32
    %max3A_8 = vector.broadcast %max3A : f32 to vector<4096x16xf32>
    %max3A_9 = arith.maximumf %add3A_7, %max3A_8 : vector<4096x16xf32>
    %get3A_10 = arith.constant 0 : index
    %get3A_11 = arith.constant 0 : index
    %get3A_12 = vector.load %arg6[%get3A_10, %get3A_11] : memref<32x16xf32, #tpu.memory_space<vmem>>, vector<32x16xf32>
    %transpose3A = tpu.transpose %get3A_12, [1, 0] : vector<32x16xf32> -> vector<16x32xf32>
    %dot_general3A = arith.constant dense<0.000000e+00> : vector<4096x32xf32>
    %dot_general3A_13 = tpu.matmul %max3A_9, %transpose3A, %dot_general3A {dimension_numbers = #tpu.dot_dimension_numbers<[1], [0], [0], [1], [0, 0, 1, 1], [], []>, transpose_lhs_hint = false} : vector<4096x16xf32>, vector<16x32xf32>, vector<4096x32xf32> -> vector<4096x32xf32>
    %swap3A = arith.constant 0 : index
    %swap3A_14 = arith.constant 0 : index
    %swap3A_15 = vector.load %arg9[%swap3A, %swap3A_14] : memref<4096x32xf32, #tpu.memory_space<vmem>>, vector<4096x32xf32>
    tpu.vector_store %arg9[%swap3A, %swap3A_14], %dot_general3A_13 {strides = array<i32>} : memref<4096x32xf32, #tpu.memory_space<vmem>>, vector<4096x32xf32>,
    %reduce_sum3A = arith.constant dense<0.000000e+00> : vector<32xf32>
    %reduce_sum3A_16 = vector.multi_reduction <add>, %dot_general3A_13, %reduce_sum3A [0] : vector<4096x32xf32> to vector<32xf32>
    %mul3A_17 = arith.mulf %dot_general3A_13, %dot_general3A_13 : vector<4096x32xf32>
    %reduce_sum3A_18 = arith.constant dense<0.000000e+00> : vector<32xf32>
    %reduce_sum3A_19 = vector.multi_reduction <add>, %mul3A_17, %reduce_sum3A_18 [0] : vector<4096x32xf32> to vector<32xf32>
    %broadcast_in_dim3A = arith.constant 0.000000e+00 : f32
    %broadcast_in_dim3A_20 = vector.broadcast %broadcast_in_dim3A : f32 to vector<6x32xf32>
    %broadcast_in_dim3A_21 = vector.shape_cast %reduce_sum3A_16 : vector<32xf32> to vector<1x32xf32>
    %broadcast_in_dim3A_22 = vector.shape_cast %reduce_sum3A_19 : vector<32xf32> to vector<1x32xf32>
    %concatenate3A = tpu.concatenate %broadcast_in_dim3A_21, %broadcast_in_dim3A_22, %broadcast_in_dim3A_20 in 0 : vector<1x32xf32>, vector<1x32xf32>, vector<6x32xf32> -> vector<8x32xf32>
    %eq3A = arith.constant 0 : i32
    %eq3A_23 = arith.cmpi eq, %arg0, %eq3A : i32
    %convert_element_type3A = arith.extui %eq3A_23 : i1 to i32
    %cond3A = arith.constant 0 : i32
    %cond3A_24 = arith.cmpi ne, %convert_element_type3A, %cond3A : i32
    scf.if %cond3A_24 {
      %broadcast_in_dim3A_106 = arith.constant 0.000000e+00 : f32
      %broadcast_in_dim3A_107 = vector.broadcast %broadcast_in_dim3A_106 : f32 to vector<8x32xf32>
      %swap3A_108 = arith.constant 0 : index
      %swap3A_109 = arith.constant 0 : index
      %swap3A_110 = vector.load %arg12[%swap3A_108, %swap3A_109] : memref<8x32xf32, #tpu.memory_space<vmem>>, vector<8x32xf32>
      tpu.vector_store %arg12[%swap3A_108, %swap3A_109], %broadcast_in_dim3A_107 {strides = array<i32>} : memref<8x32xf32, #tpu.memory_space<vmem>>, vector<8x32xf32>,
    } else {
    }
    %get3A_25 = arith.constant 0 : index
    %get3A_26 = arith.constant 0 : index
    %get3A_27 = vector.load %arg12[%get3A_25, %get3A_26] : memref<8x32xf32, #tpu.memory_space<vmem>>, vector<8x32xf32>
    %add3A_28 = arith.addf %get3A_27, %concatenate3A : vector<8x32xf32>
    %swap3A_29 = arith.constant 0 : index
    %swap3A_30 = arith.constant 0 : index
    %swap3A_31 = vector.load %arg12[%swap3A_29, %swap3A_30] : memref<8x32xf32, #tpu.memory_space<vmem>>, vector<8x32xf32>
    tpu.vector_store %arg12[%swap3A_29, %swap3A_30], %add3A_28 {strides = array<i32>} : memref<8x32xf32, #tpu.memory_space<vmem>>, vector<8x32xf32>,
    %get3A_32 = arith.constant 0 : index
    %get3A_33 = arith.constant 0 : index
    %get3A_34 = vector.load %arg3[%get3A_32, %get3A_33] : memref<4096x8xf32, #tpu.memory_space<vmem>>, vector<4096x8xf32>
    %get3A_35 = arith.constant 0 : index
    %get3A_36 = arith.constant 0 : index
    %get3A_37 = vector.load %arg7[%get3A_35, %get3A_36] : memref<32x8xf32, #tpu.memory_space<vmem>>, vector<32x8xf32>
    %transpose3A_38 = tpu.transpose %get3A_37, [1, 0] : vector<32x8xf32> -> vector<8x32xf32>
    %dot_general3A_39 = arith.constant dense<0.000000e+00> : vector<4096x32xf32>
    %dot_general3A_40 = tpu.matmul %get3A_34, %transpose3A_38, %dot_general3A_39 {dimension_numbers = #tpu.dot_dimension_numbers<[1], [0], [0], [1], [0, 0, 1, 1], [], []>, transpose_lhs_hint = false} : vector<4096x8xf32>, vector<8x32xf32>, vector<4096x32xf32> -> vector<4096x32xf32>
    %swap3A_41 = arith.constant 0 : index
    %swap3A_42 = arith.constant 0 : index
    %swap3A_43 = vector.load %arg10[%swap3A_41, %swap3A_42] : memref<4096x32xf32, #tpu.memory_space<vmem>>, vector<4096x32xf32>
    tpu.vector_store %arg10[%swap3A_41, %swap3A_42], %dot_general3A_40 {strides = array<i32>} : memref<4096x32xf32, #tpu.memory_space<vmem>>, vector<4096x32xf32>,
    %reduce_sum3A_44 = arith.constant dense<0.000000e+00> : vector<32xf32>
    %reduce_sum3A_45 = vector.multi_reduction <add>, %dot_general3A_40, %reduce_sum3A_44 [0] : vector<4096x32xf32> to vector<32xf32>
    %mul3A_46 = arith.mulf %dot_general3A_40, %dot_general3A_40 : vector<4096x32xf32>
    %reduce_sum3A_47 = arith.constant dense<0.000000e+00> : vector<32xf32>
    %reduce_sum3A_48 = vector.multi_reduction <add>, %mul3A_46, %reduce_sum3A_47 [0] : vector<4096x32xf32> to vector<32xf32>
    %broadcast_in_dim3A_49 = arith.constant 0.000000e+00 : f32
    %broadcast_in_dim3A_50 = vector.broadcast %broadcast_in_dim3A_49 : f32 to vector<6x32xf32>
    %broadcast_in_dim3A_51 = vector.shape_cast %reduce_sum3A_45 : vector<32xf32> to vector<1x32xf32>
    %broadcast_in_dim3A_52 = vector.shape_cast %reduce_sum3A_48 : vector<32xf32> to vector<1x32xf32>
    %concatenate3A_53 = tpu.concatenate %broadcast_in_dim3A_51, %broadcast_in_dim3A_52, %broadcast_in_dim3A_50 in 0 : vector<1x32xf32>, vector<1x32xf32>, vector<6x32xf32> -> vector<8x32xf32>
    %eq3A_54 = arith.constant 0 : i32
    %eq3A_55 = arith.cmpi eq, %arg0, %eq3A_54 : i32
    %convert_element_type3A_56 = arith.extui %eq3A_55 : i1 to i32
    %cond3A_57 = arith.constant 0 : i32
    %cond3A_58 = arith.cmpi ne, %convert_element_type3A_56, %cond3A_57 : i32
    scf.if %cond3A_58 {
      %broadcast_in_dim3A_106 = arith.constant 0.000000e+00 : f32
      %broadcast_in_dim3A_107 = vector.broadcast %broadcast_in_dim3A_106 : f32 to vector<8x32xf32>
      %swap3A_108 = arith.constant 0 : index
      %swap3A_109 = arith.constant 0 : index
      %swap3A_110 = vector.load %arg13[%swap3A_108, %swap3A_109] : memref<8x32xf32, #tpu.memory_space<vmem>>, vector<8x32xf32>
      tpu.vector_store %arg13[%swap3A_108, %swap3A_109], %broadcast_in_dim3A_107 {strides = array<i32>} : memref<8x32xf32, #tpu.memory_space<vmem>>, vector<8x32xf32>,
    } else {
    }
    %get3A_59 = arith.constant 0 : index
    %get3A_60 = arith.constant 0 : index
    %get3A_61 = vector.load %arg13[%get3A_59, %get3A_60] : memref<8x32xf32, #tpu.memory_space<vmem>>, vector<8x32xf32>
    %add3A_62 = arith.addf %get3A_61, %concatenate3A_53 : vector<8x32xf32>
    %swap3A_63 = arith.constant 0 : index
    %swap3A_64 = arith.constant 0 : index
    %swap3A_65 = vector.load %arg13[%swap3A_63, %swap3A_64] : memref<8x32xf32, #tpu.memory_space<vmem>>, vector<8x32xf32>
    tpu.vector_store %arg13[%swap3A_63, %swap3A_64], %add3A_62 {strides = array<i32>} : memref<8x32xf32, #tpu.memory_space<vmem>>, vector<8x32xf32>,
    %get3A_66 = arith.constant 0 : index
    %get3A_67 = arith.constant 0 : index
    %get3A_68 = vector.load %arg4[%get3A_66, %get3A_67] : memref<4096x4xf32, #tpu.memory_space<vmem>>, vector<4096x4xf32>
    %slice3A_69 = vector.extract_strided_slice %get3A_68 {offsets = [0, 0], sizes = [4096, 3], strides = [1, 1]} : vector<4096x4xf32> to vector<4096x3xf32>
    %get3A_70 = arith.constant 0 : index
    %get3A_71 = arith.constant 0 : index
    %get3A_72 = vector.load %arg5[%get3A_70, %get3A_71] : memref<4096x8xf32, #tpu.memory_space<vmem>>, vector<4096x8xf32>
    %slice3A_73 = vector.extract_strided_slice %get3A_72 {offsets = [0, 0], sizes = [4096, 1], strides = [1, 1]} : vector<4096x8xf32> to vector<4096x1xf32>
    %concatenate3A_74 = tpu.concatenate %slice3A_69, %slice3A_73 in 1 : vector<4096x3xf32>, vector<4096x1xf32> -> vector<4096x4xf32>
    %get3A_75 = arith.constant 0 : index
    %get3A_76 = arith.constant 0 : index
    %get3A_77 = vector.load %arg8[%get3A_75, %get3A_76] : memref<32x4xf32, #tpu.memory_space<vmem>>, vector<32x4xf32>
    %transpose3A_78 = tpu.transpose %get3A_77, [1, 0] : vector<32x4xf32> -> vector<4x32xf32>
    %dot_general3A_79 = arith.constant dense<0.000000e+00> : vector<4096x32xf32>
    %dot_general3A_80 = tpu.matmul %concatenate3A_74, %transpose3A_78, %dot_general3A_79 {dimension_numbers = #tpu.dot_dimension_numbers<[1], [0], [0], [1], [0, 0, 1, 1], [], []>, transpose_lhs_hint = false} : vector<4096x4xf32>, vector<4x32xf32>, vector<4096x32xf32> -> vector<4096x32xf32>
    %swap3A_81 = arith.constant 0 : index
    %swap3A_82 = arith.constant 0 : index
    %swap3A_83 = vector.load %arg11[%swap3A_81, %swap3A_82] : memref<4096x32xf32, #tpu.memory_space<vmem>>, vector<4096x32xf32>
    tpu.vector_store %arg11[%swap3A_81, %swap3A_82], %dot_general3A_80 {strides = array<i32>} : memref<4096x32xf32, #tpu.memory_space<vmem>>, vector<4096x32xf32>,
    %reduce_sum3A_84 = arith.constant dense<0.000000e+00> : vector<32xf32>
    %reduce_sum3A_85 = vector.multi_reduction <add>, %dot_general3A_80, %reduce_sum3A_84 [0] : vector<4096x32xf32> to vector<32xf32>
    %mul3A_86 = arith.mulf %dot_general3A_80, %dot_general3A_80 : vector<4096x32xf32>
    %reduce_sum3A_87 = arith.constant dense<0.000000e+00> : vector<32xf32>
    %reduce_sum3A_88 = vector.multi_reduction <add>, %mul3A_86, %reduce_sum3A_87 [0] : vector<4096x32xf32> to vector<32xf32>
    %broadcast_in_dim3A_89 = arith.constant 0.000000e+00 : f32
    %broadcast_in_dim3A_90 = vector.broadcast %broadcast_in_dim3A_89 : f32 to vector<6x32xf32>
    %broadcast_in_dim3A_91 = vector.shape_cast %reduce_sum3A_85 : vector<32xf32> to vector<1x32xf32>
    %broadcast_in_dim3A_92 = vector.shape_cast %reduce_sum3A_88 : vector<32xf32> to vector<1x32xf32>
    %concatenate3A_93 = tpu.concatenate %broadcast_in_dim3A_91, %broadcast_in_dim3A_92, %broadcast_in_dim3A_90 in 0 : vector<1x32xf32>, vector<1x32xf32>, vector<6x32xf32> -> vector<8x32xf32>
    %eq3A_94 = arith.constant 0 : i32
    %eq3A_95 = arith.cmpi eq, %arg0, %eq3A_94 : i32
    %convert_element_type3A_96 = arith.extui %eq3A_95 : i1 to i32
    %cond3A_97 = arith.constant 0 : i32
    %cond3A_98 = arith.cmpi ne, %convert_element_type3A_96, %cond3A_97 : i32
    scf.if %cond3A_98 {
      %broadcast_in_dim3A_106 = arith.constant 0.000000e+00 : f32
      %broadcast_in_dim3A_107 = vector.broadcast %broadcast_in_dim3A_106 : f32 to vector<8x32xf32>
      %swap3A_108 = arith.constant 0 : index
      %swap3A_109 = arith.constant 0 : index
      %swap3A_110 = vector.load %arg14[%swap3A_108, %swap3A_109] : memref<8x32xf32, #tpu.memory_space<vmem>>, vector<8x32xf32>
      tpu.vector_store %arg14[%swap3A_108, %swap3A_109], %broadcast_in_dim3A_107 {strides = array<i32>} : memref<8x32xf32, #tpu.memory_space<vmem>>, vector<8x32xf32>,
    } else {
    }
    %get3A_99 = arith.constant 0 : index
    %get3A_100 = arith.constant 0 : index
    %get3A_101 = vector.load %arg14[%get3A_99, %get3A_100] : memref<8x32xf32, #tpu.memory_space<vmem>>, vector<8x32xf32>
    %add3A_102 = arith.addf %get3A_101, %concatenate3A_93 : vector<8x32xf32>
    %swap3A_103 = arith.constant 0 : index
    %swap3A_104 = arith.constant 0 : index
    %swap3A_105 = vector.load %arg14[%swap3A_103, %swap3A_104] : memref<8x32xf32, #tpu.memory_space<vmem>>, vector<8x32xf32>
    tpu.vector_store %arg14[%swap3A_103, %swap3A_104], %add3A_102 {strides = array<i32>} : memref<8x32xf32, #tpu.memory_space<vmem>>, vector<8x32xf32>,
    return
  }
  func.func @transform_0(%arg0: i32) -> (i32, i32) {
    %c0_i32 = arith.constant 0 : i32
    %c0_i32_0 = arith.constant 0 : i32
    return %arg0, %c0_i32 : i32, i32
  }
  func.func @transform_1(%arg0: i32) -> (i32, i32) {
    %c0_i32 = arith.constant 0 : i32
    %c0_i32_0 = arith.constant 0 : i32
    %c0_i32_1 = arith.constant 0 : i32
    return %c0_i32, %c0_i32_0 : i32, i32
  }
  func.func @transform_2(%arg0: i32) -> (i32, i32) {
    %c0_i32 = arith.constant 0 : i32
    %c0_i32_0 = arith.constant 0 : i32
    return %arg0, %c0_i32 : i32, i32
  }
  func.func @transform_3(%arg0: i32) -> (i32, i32) {
    %c0_i32 = arith.constant 0 : i32
    %c0_i32_0 = arith.constant 0 : i32
    return %arg0, %c0_i32 : i32, i32
  }
  func.func @transform_4(%arg0: i32) -> (i32, i32) {
    %c0_i32 = arith.constant 0 : i32
    %c0_i32_0 = arith.constant 0 : i32
    return %arg0, %c0_i32 : i32, i32
  }
  func.func @transform_5(%arg0: i32) -> (i32, i32) {
    %c0_i32 = arith.constant 0 : i32
    %c0_i32_0 = arith.constant 0 : i32
    %c0_i32_1 = arith.constant 0 : i32
    return %c0_i32, %c0_i32_0 : i32, i32
  }
  func.func @transform_6(%arg0: i32) -> (i32, i32) {
    %c0_i32 = arith.constant 0 : i32
    %c0_i32_0 = arith.constant 0 : i32
    %c0_i32_1 = arith.constant 0 : i32
    return %c0_i32, %c0_i32_0 : i32, i32
  }
  func.func @transform_7(%arg0: i32) -> (i32, i32) {
    %c0_i32 = arith.constant 0 : i32
    %c0_i32_0 = arith.constant 0 : i32
    %c0_i32_1 = arith.constant 0 : i32
    return %c0_i32, %c0_i32_0 : i32, i32
  }
  func.func @transform_8(%arg0: i32) -> (i32, i32) {
    %c0_i32 = arith.constant 0 : i32
    %c0_i32_0 = arith.constant 0 : i32
    return %arg0, %c0_i32 : i32, i32
  }
  func.func @transform_9(%arg0: i32) -> (i32, i32) {
    %c0_i32 = arith.constant 0 : i32
    %c0_i32_0 = arith.constant 0 : i32
    return %arg0, %c0_i32 : i32, i32
  }
  func.func @transform_10(%arg0: i32) -> (i32, i32) {
    %c0_i32 = arith.constant 0 : i32
    %c0_i32_0 = arith.constant 0 : i32
    return %arg0, %c0_i32 : i32, i32
  }
  func.func @transform_11(%arg0: i32) -> (i32, i32) {
    %c0_i32 = arith.constant 0 : i32
    %c0_i32_0 = arith.constant 0 : i32
    %c0_i32_1 = arith.constant 0 : i32
    return %c0_i32, %c0_i32_0 : i32, i32
  }
  func.func @transform_12(%arg0: i32) -> (i32, i32) {
    %c0_i32 = arith.constant 0 : i32
    %c0_i32_0 = arith.constant 0 : i32
    %c0_i32_1 = arith.constant 0 : i32
    return %c0_i32, %c0_i32_0 : i32, i32
  }
  func.func @transform_13(%arg0: i32) -> (i32, i32) {
    %c0_i32 = arith.constant 0 : i32
    %c0_i32_0 = arith.constant 0 : i32
    %c0_i32_1 = arith.constant 0 : i32
    return %c0_i32, %c0_i32_0 : i32, i32
  }
}

module attributes {stable_mosaic.version = 14 : i64} {
  func.func @body(%arg0: i32, %arg1: memref<4096x32xf32, #tpu.memory_space<vmem>>, %arg2: memref<4096x32xf32, #tpu.memory_space<vmem>>, %arg3: memref<4096x32xf32, #tpu.memory_space<vmem>>, %arg4: memref<8x32xf32, #tpu.memory_space<vmem>>, %arg5: memref<8x32xf32, #tpu.memory_space<vmem>>, %arg6: memref<8x32xf32, #tpu.memory_space<vmem>>, %arg7: memref<32x64xf32, #tpu.memory_space<vmem>>, %arg8: memref<4096x32xf32, #tpu.memory_space<vmem>>, %arg9: memref<8x32xf32, #tpu.memory_space<vmem>>) attributes {dimension_semantics = [#tpu.dimension_semantics<arbitrary>], iteration_bounds = array<i64: 8>, scalar_prefetch = 0 : i64, scratch_operands = 0 : i64, tpu.core_type = #tpu.core_type<tc>, window_params = [{transform_indices = @transform_0, window_bounds = array<i64: 4096, 32>}, {transform_indices = @transform_1, window_bounds = array<i64: 4096, 32>}, {transform_indices = @transform_2, window_bounds = array<i64: 4096, 32>}, {pipeline_mode = #tpu.pipeline_mode<synchronous>, transform_indices = @transform_3, window_bounds = array<i64: 8, 32>}, {pipeline_mode = #tpu.pipeline_mode<synchronous>, transform_indices = @transform_4, window_bounds = array<i64: 8, 32>}, {pipeline_mode = #tpu.pipeline_mode<synchronous>, transform_indices = @transform_5, window_bounds = array<i64: 8, 32>}, {pipeline_mode = #tpu.pipeline_mode<synchronous>, transform_indices = @transform_6, window_bounds = array<i64: 32, 64>}, {transform_indices = @transform_7, window_bounds = array<i64: 4096, 32>}, {pipeline_mode = #tpu.pipeline_mode<synchronous>, transform_indices = @transform_8, window_bounds = array<i64: 8, 32>}]} {
    %get3A = arith.constant 0 : index
    %get3A_0 = arith.constant 0 : index
    %get3A_1 = vector.load %arg1[%get3A, %get3A_0] : memref<4096x32xf32, #tpu.memory_space<vmem>>, vector<4096x32xf32>
    %get3A_2 = arith.constant 0 : index
    %get3A_3 = arith.constant 0 : index
    %get3A_4 = vector.load %arg4[%get3A_2, %get3A_3] : memref<8x32xf32, #tpu.memory_space<vmem>>, vector<8x32xf32>
    %slice3A = vector.extract_strided_slice %get3A_4 {offsets = [0, 0], sizes = [1, 32], strides = [1, 1]} : vector<8x32xf32> to vector<1x32xf32>
    %slice3A_5 = vector.extract_strided_slice %get3A_4 {offsets = [1, 0], sizes = [1, 32], strides = [1, 1]} : vector<8x32xf32> to vector<1x32xf32>
    %mul3A = vector.broadcast %slice3A : vector<1x32xf32> to vector<4096x32xf32>
    %mul3A_6 = arith.mulf %get3A_1, %mul3A : vector<4096x32xf32>
    %add3A = vector.broadcast %slice3A_5 : vector<1x32xf32> to vector<4096x32xf32>
    %add3A_7 = arith.addf %mul3A_6, %add3A : vector<4096x32xf32>
    %get3A_8 = arith.constant 0 : index
    %get3A_9 = arith.constant 0 : index
    %get3A_10 = vector.load %arg2[%get3A_8, %get3A_9] : memref<4096x32xf32, #tpu.memory_space<vmem>>, vector<4096x32xf32>
    %get3A_11 = arith.constant 0 : index
    %get3A_12 = arith.constant 0 : index
    %get3A_13 = vector.load %arg5[%get3A_11, %get3A_12] : memref<8x32xf32, #tpu.memory_space<vmem>>, vector<8x32xf32>
    %slice3A_14 = vector.extract_strided_slice %get3A_13 {offsets = [0, 0], sizes = [1, 32], strides = [1, 1]} : vector<8x32xf32> to vector<1x32xf32>
    %slice3A_15 = vector.extract_strided_slice %get3A_13 {offsets = [1, 0], sizes = [1, 32], strides = [1, 1]} : vector<8x32xf32> to vector<1x32xf32>
    %mul3A_16 = vector.broadcast %slice3A_14 : vector<1x32xf32> to vector<4096x32xf32>
    %mul3A_17 = arith.mulf %get3A_10, %mul3A_16 : vector<4096x32xf32>
    %add3A_18 = vector.broadcast %slice3A_15 : vector<1x32xf32> to vector<4096x32xf32>
    %add3A_19 = arith.addf %mul3A_17, %add3A_18 : vector<4096x32xf32>
    %get3A_20 = arith.constant 0 : index
    %get3A_21 = arith.constant 0 : index
    %get3A_22 = vector.load %arg3[%get3A_20, %get3A_21] : memref<4096x32xf32, #tpu.memory_space<vmem>>, vector<4096x32xf32>
    %get3A_23 = arith.constant 0 : index
    %get3A_24 = arith.constant 0 : index
    %get3A_25 = vector.load %arg6[%get3A_23, %get3A_24] : memref<8x32xf32, #tpu.memory_space<vmem>>, vector<8x32xf32>
    %slice3A_26 = vector.extract_strided_slice %get3A_25 {offsets = [0, 0], sizes = [1, 32], strides = [1, 1]} : vector<8x32xf32> to vector<1x32xf32>
    %slice3A_27 = vector.extract_strided_slice %get3A_25 {offsets = [1, 0], sizes = [1, 32], strides = [1, 1]} : vector<8x32xf32> to vector<1x32xf32>
    %mul3A_28 = vector.broadcast %slice3A_26 : vector<1x32xf32> to vector<4096x32xf32>
    %mul3A_29 = arith.mulf %get3A_22, %mul3A_28 : vector<4096x32xf32>
    %add3A_30 = vector.broadcast %slice3A_27 : vector<1x32xf32> to vector<4096x32xf32>
    %add3A_31 = arith.addf %mul3A_29, %add3A_30 : vector<4096x32xf32>
    %add3A_32 = arith.addf %add3A_7, %add3A_19 : vector<4096x32xf32>
    %concatenate3A = tpu.concatenate %add3A_32, %add3A_31 in 1 : vector<4096x32xf32>, vector<4096x32xf32> -> vector<4096x64xf32>
    %get3A_33 = arith.constant 0 : index
    %get3A_34 = arith.constant 0 : index
    %get3A_35 = vector.load %arg7[%get3A_33, %get3A_34] : memref<32x64xf32, #tpu.memory_space<vmem>>, vector<32x64xf32>
    %transpose3A = tpu.transpose %get3A_35, [1, 0] : vector<32x64xf32> -> vector<64x32xf32>
    %dot_general3A = arith.constant dense<0.000000e+00> : vector<4096x32xf32>
    %dot_general3A_36 = tpu.matmul %concatenate3A, %transpose3A, %dot_general3A {dimension_numbers = #tpu.dot_dimension_numbers<[1], [0], [0], [1], [0, 0, 1, 1], [], []>, transpose_lhs_hint = false} : vector<4096x64xf32>, vector<64x32xf32>, vector<4096x32xf32> -> vector<4096x32xf32>
    %swap3A = arith.constant 0 : index
    %swap3A_37 = arith.constant 0 : index
    %swap3A_38 = vector.load %arg8[%swap3A, %swap3A_37] : memref<4096x32xf32, #tpu.memory_space<vmem>>, vector<4096x32xf32>
    tpu.vector_store %arg8[%swap3A, %swap3A_37], %dot_general3A_36 {strides = array<i32>} : memref<4096x32xf32, #tpu.memory_space<vmem>>, vector<4096x32xf32>,
    %reduce_sum3A = arith.constant dense<0.000000e+00> : vector<32xf32>
    %reduce_sum3A_39 = vector.multi_reduction <add>, %dot_general3A_36, %reduce_sum3A [0] : vector<4096x32xf32> to vector<32xf32>
    %mul3A_40 = arith.mulf %dot_general3A_36, %dot_general3A_36 : vector<4096x32xf32>
    %reduce_sum3A_41 = arith.constant dense<0.000000e+00> : vector<32xf32>
    %reduce_sum3A_42 = vector.multi_reduction <add>, %mul3A_40, %reduce_sum3A_41 [0] : vector<4096x32xf32> to vector<32xf32>
    %broadcast_in_dim3A = arith.constant 0.000000e+00 : f32
    %broadcast_in_dim3A_43 = vector.broadcast %broadcast_in_dim3A : f32 to vector<6x32xf32>
    %broadcast_in_dim3A_44 = vector.shape_cast %reduce_sum3A_39 : vector<32xf32> to vector<1x32xf32>
    %broadcast_in_dim3A_45 = vector.shape_cast %reduce_sum3A_42 : vector<32xf32> to vector<1x32xf32>
    %concatenate3A_46 = tpu.concatenate %broadcast_in_dim3A_44, %broadcast_in_dim3A_45, %broadcast_in_dim3A_43 in 0 : vector<1x32xf32>, vector<1x32xf32>, vector<6x32xf32> -> vector<8x32xf32>
    %eq3A = arith.constant 0 : i32
    %eq3A_47 = arith.cmpi eq, %arg0, %eq3A : i32
    %convert_element_type3A = arith.extui %eq3A_47 : i1 to i32
    %cond3A = arith.constant 0 : i32
    %cond3A_48 = arith.cmpi ne, %convert_element_type3A, %cond3A : i32
    scf.if %cond3A_48 {
      %broadcast_in_dim3A_56 = arith.constant 0.000000e+00 : f32
      %broadcast_in_dim3A_57 = vector.broadcast %broadcast_in_dim3A_56 : f32 to vector<8x32xf32>
      %swap3A_58 = arith.constant 0 : index
      %swap3A_59 = arith.constant 0 : index
      %swap3A_60 = vector.load %arg9[%swap3A_58, %swap3A_59] : memref<8x32xf32, #tpu.memory_space<vmem>>, vector<8x32xf32>
      tpu.vector_store %arg9[%swap3A_58, %swap3A_59], %broadcast_in_dim3A_57 {strides = array<i32>} : memref<8x32xf32, #tpu.memory_space<vmem>>, vector<8x32xf32>,
    } else {
    }
    %get3A_49 = arith.constant 0 : index
    %get3A_50 = arith.constant 0 : index
    %get3A_51 = vector.load %arg9[%get3A_49, %get3A_50] : memref<8x32xf32, #tpu.memory_space<vmem>>, vector<8x32xf32>
    %add3A_52 = arith.addf %get3A_51, %concatenate3A_46 : vector<8x32xf32>
    %swap3A_53 = arith.constant 0 : index
    %swap3A_54 = arith.constant 0 : index
    %swap3A_55 = vector.load %arg9[%swap3A_53, %swap3A_54] : memref<8x32xf32, #tpu.memory_space<vmem>>, vector<8x32xf32>
    tpu.vector_store %arg9[%swap3A_53, %swap3A_54], %add3A_52 {strides = array<i32>} : memref<8x32xf32, #tpu.memory_space<vmem>>, vector<8x32xf32>,
    return
  }
  func.func @transform_0(%arg0: i32) -> (i32, i32) {
    %c0_i32 = arith.constant 0 : i32
    %c0_i32_0 = arith.constant 0 : i32
    return %arg0, %c0_i32 : i32, i32
  }
  func.func @transform_1(%arg0: i32) -> (i32, i32) {
    %c0_i32 = arith.constant 0 : i32
    %c0_i32_0 = arith.constant 0 : i32
    return %arg0, %c0_i32 : i32, i32
  }
  func.func @transform_2(%arg0: i32) -> (i32, i32) {
    %c0_i32 = arith.constant 0 : i32
    %c0_i32_0 = arith.constant 0 : i32
    return %arg0, %c0_i32 : i32, i32
  }
  func.func @transform_3(%arg0: i32) -> (i32, i32) {
    %c0_i32 = arith.constant 0 : i32
    %c0_i32_0 = arith.constant 0 : i32
    %c0_i32_1 = arith.constant 0 : i32
    return %c0_i32, %c0_i32_0 : i32, i32
  }
  func.func @transform_4(%arg0: i32) -> (i32, i32) {
    %c0_i32 = arith.constant 0 : i32
    %c0_i32_0 = arith.constant 0 : i32
    %c0_i32_1 = arith.constant 0 : i32
    return %c0_i32, %c0_i32_0 : i32, i32
  }
  func.func @transform_5(%arg0: i32) -> (i32, i32) {
    %c0_i32 = arith.constant 0 : i32
    %c0_i32_0 = arith.constant 0 : i32
    %c0_i32_1 = arith.constant 0 : i32
    return %c0_i32, %c0_i32_0 : i32, i32
  }
  func.func @transform_6(%arg0: i32) -> (i32, i32) {
    %c0_i32 = arith.constant 0 : i32
    %c0_i32_0 = arith.constant 0 : i32
    %c0_i32_1 = arith.constant 0 : i32
    return %c0_i32, %c0_i32_0 : i32, i32
  }
  func.func @transform_7(%arg0: i32) -> (i32, i32) {
    %c0_i32 = arith.constant 0 : i32
    %c0_i32_0 = arith.constant 0 : i32
    return %arg0, %c0_i32 : i32, i32
  }
  func.func @transform_8(%arg0: i32) -> (i32, i32) {
    %c0_i32 = arith.constant 0 : i32
    %c0_i32_0 = arith.constant 0 : i32
    %c0_i32_1 = arith.constant 0 : i32
    return %c0_i32, %c0_i32_0 : i32, i32
  }
}

module attributes {stable_mosaic.version = 14 : i64} {
  func.func @body(%arg0: i32, %arg1: memref<4096x32xf32, #tpu.memory_space<vmem>>, %arg2: memref<8x32xf32, #tpu.memory_space<vmem>>, %arg3: memref<4096x32xf32, #tpu.memory_space<vmem>>) attributes {dimension_semantics = [#tpu.dimension_semantics<arbitrary>], iteration_bounds = array<i64: 8>, scalar_prefetch = 0 : i64, scratch_operands = 0 : i64, tpu.core_type = #tpu.core_type<tc>, window_params = [{transform_indices = @transform_0, window_bounds = array<i64: 4096, 32>}, {pipeline_mode = #tpu.pipeline_mode<synchronous>, transform_indices = @transform_1, window_bounds = array<i64: 8, 32>}, {transform_indices = @transform_2, window_bounds = array<i64: 4096, 32>}]} {
    %get3A = arith.constant 0 : index
    %get3A_0 = arith.constant 0 : index
    %get3A_1 = vector.load %arg1[%get3A, %get3A_0] : memref<4096x32xf32, #tpu.memory_space<vmem>>, vector<4096x32xf32>
    %get3A_2 = arith.constant 0 : index
    %get3A_3 = arith.constant 0 : index
    %get3A_4 = vector.load %arg2[%get3A_2, %get3A_3] : memref<8x32xf32, #tpu.memory_space<vmem>>, vector<8x32xf32>
    %slice3A = vector.extract_strided_slice %get3A_4 {offsets = [0, 0], sizes = [1, 32], strides = [1, 1]} : vector<8x32xf32> to vector<1x32xf32>
    %slice3A_5 = vector.extract_strided_slice %get3A_4 {offsets = [1, 0], sizes = [1, 32], strides = [1, 1]} : vector<8x32xf32> to vector<1x32xf32>
    %mul3A = vector.broadcast %slice3A : vector<1x32xf32> to vector<4096x32xf32>
    %mul3A_6 = arith.mulf %get3A_1, %mul3A : vector<4096x32xf32>
    %add3A = vector.broadcast %slice3A_5 : vector<1x32xf32> to vector<4096x32xf32>
    %add3A_7 = arith.addf %mul3A_6, %add3A : vector<4096x32xf32>
    %max3A = arith.constant 0.000000e+00 : f32
    %max3A_8 = vector.broadcast %max3A : f32 to vector<4096x32xf32>
    %max3A_9 = arith.maximumf %add3A_7, %max3A_8 : vector<4096x32xf32>
    %swap3A = arith.constant 0 : index
    %swap3A_10 = arith.constant 0 : index
    %swap3A_11 = vector.load %arg3[%swap3A, %swap3A_10] : memref<4096x32xf32, #tpu.memory_space<vmem>>, vector<4096x32xf32>
    tpu.vector_store %arg3[%swap3A, %swap3A_10], %max3A_9 {strides = array<i32>} : memref<4096x32xf32, #tpu.memory_space<vmem>>, vector<4096x32xf32>,
    return
  }
  func.func @transform_0(%arg0: i32) -> (i32, i32) {
    %c0_i32 = arith.constant 0 : i32
    %c0_i32_0 = arith.constant 0 : i32
    return %arg0, %c0_i32 : i32, i32
  }
  func.func @transform_1(%arg0: i32) -> (i32, i32) {
    %c0_i32 = arith.constant 0 : i32
    %c0_i32_0 = arith.constant 0 : i32
    %c0_i32_1 = arith.constant 0 : i32
    return %c0_i32, %c0_i32_0 : i32, i32
  }
  func.func @transform_2(%arg0: i32) -> (i32, i32) {
    %c0_i32 = arith.constant 0 : i32
    %c0_i32_0 = arith.constant 0 : i32
    return %arg0, %c0_i32 : i32, i32
  }
}

</mosaic_0001>

<sc_bundles>
// kernel: kernel.13.cloned.1.call-start
scs
__scs_entry_jumppad:
0x0: {  	(pc) =	sbr.rel $0x88, $3  }
0x1: {  	(tag) =	ssettag $0x0;
	lr =	simm.s32 $0x1  }
0x2: {  	[smem:$0x3F81] =	sst lr;
	_ =	strace $0xD0000000  }
0x3: {  	_ = 	snop  }
0x4: {  	_ = 	snop  }
0x5: {  	_ = 	snop  }
0x6: {  	_ = 	snop  }
0x7: {  	_ = 	snop  }
__scs_overlays_trampoline_lowered:
0x8: {  	[smem:$0x3F90] =	sst s0  }
0x9: {  	[smem:$0x3F91] =	sst s1  }
0xa: {  	[smem:$0x3F92] =	sst s2  }
0xb: {  	[smem:$0x3F93] =	sst s3  }
0xc: {  	[smem:$0x3F94] =	sst s4  }
0xd: {  	[smem:$0x3F95] =	sst s5  }
0xe: {  	[smem:$0x3F96] =	sst s6  }
0xf: {  	[smem:$0x3F97] =	sst s7  }
0x10: {  	[smem:$0x3F98] =	sst s8  }
0x11: {  	[smem:$0x3F99] =	sst s9;
	s0 =	simm.s32 @!p0 $0x0  }
0x12: {  	s1 =	sld [smem:$0x3F7F];
	s0 =	simm.s32 @p0 $0x1  }
0x13: {  	[smem:$0x3F9A] =	sst s0;
	s0 =	simm.s32 @!p1 $0x0  }
0x14: {  	s2 =	sld [smem:$0x3F7E];
	s0 =	simm.s32 @p1 $0x1  }
0x15: {  	[smem:$0x3F9B] =	sst s0;
	s0 =	simm.s32 @!p2 $0x0  }
0x16: {  	s3 =	sld [smem:$0x3FDB];
	s0 =	simm.s32 @p2 $0x1  }
0x17: {  	s4 =	simm.s32 $0x1BF5;
	[smem:$0x3F9D] =	sst s0  }
0x18: {  	s0 =	sld [smem:$0x3F80];
	_ =	swait.ge [sflag:s4], $0x0  }
0x19: {  	s7 =	sld [smem:$0x3F81]  }
0x1a: {  	s8 =	sadd.s32 $0xFFFFE003, lr  }
0x1b: {  	s9 =	sadd.s32 $0xFFFFFEF7, lr;
	s5 =	simm.s32 $0xFFFFFFFF;
	p2 =	slt.u32 s8, $0xFFFFF086  }
0x1c: {  	p1 =	slt.u32 s9, $0xF7A;
	s5 =	simm.s32 @!p2 $0x0  }
0x1d: {  	s5 =	simm.s32 @p1 $0x1;
	p0 =	seq.s32 s7, s2  }
0x1e: {  	s7 =	smul.u32 @!p0 $0xF7A, s2;
	p2 =	seq.s32 @!p0 s5, $0x0  }
0x1f: {  	s9 =	smul.u32 $0xF7A, s1;
	s8 =	simm.s32 @!p0 $0x1BF5;
	p2 =	por !p2, p0  }
0x20: {  	[sflag:s8] =	ssyncset.s32 @!p0 $0xFFFFF086;
	s6 =	sadd.s32 @!p0 s3, s7;
	s7 =	simm.s32 @!p0 $0x108  }
0x21: {  	s3 =	sadd.s32 s3, s9;
	s6 =	sadd.s32 @!p0 $0x88, s6;
	s7 =	simm.s32 @p2 $0x1082  }
0x22: {  	[simem:s7], [sflag:s8] =	dma.local @!p0 [hbm:s6], $0xF7A  }
0x23: {  	s9 =	sor.u32 $0xD0000000, s2;
	s6 =	simm.s32 $0x108;
	_ =	swait.ge @!p0 [sflag:s8], $0x0  }
0x24: {  	s3 =	sadd.s32 $0x88, s3;
	s6 =	simm.s32 @!p1 $0x1082;
	[sflag:s4] =	ssyncset.s32 $0xFFFFF086  }
0x25: {  	[simem:s6], [sflag:s4] =	dma.local [hbm:s3], $0xF7A  }
0x26: {  	[smem:$0x3F81] =	sst s1;
	(tag) =	ssettag s2;
	_ =	strace s9  }
0x27: {  	s1 =	sld [smem:$0x3F91]  }
0x28: {  	s2 =	sld [smem:$0x3F92]  }
0x29: {  	s4 =	sld [smem:$0x3F94]  }
0x2a: {  	p0 =	seq.s32 s5, $0x0;
	s5 =	sld [smem:$0x3F95]  }
0x2b: {  	s6 =	sld [smem:$0x3F96]  }
0x2c: {  	s7 =	sld [smem:$0x3F97]  }
0x2d: {  	s3 =	simm.s32 $0x108;
	s8 =	sld [smem:$0x3F98]  }
0x2e: {  	s3 =	simm.s32 @!p0 $0x1082;
	s9 =	sld [smem:$0x3F99]  }
0x2f: {  	lr =	sadd.s32 s0, s3;
	s0 =	sld [smem:$0x3F90]  }
0x30: {  	s3 =	sld [smem:$0x3F93]  }
0x31: {  	[smem:$0x3F9C] =	sst s10  }
0x32: {  	s10 =	sld [smem:$0x3F9A];
	_ =	sdelay $0x3  }
0x33: {  	p0 =	seq.s32 s10, $0x1;
	s10 =	sld [smem:$0x3F9C];
	_ =	sdelay $0x3  }
0x34: {  	[smem:$0x3F9C] =	sst s10  }
0x35: {  	s10 =	sld [smem:$0x3F9B];
	_ =	sdelay $0x3  }
0x36: {  	p1 =	seq.s32 s10, $0x1;
	s10 =	sld [smem:$0x3F9C];
	_ =	sdelay $0x3  }
0x37: {  	[smem:$0x3F9C] =	sst s10  }
0x38: {  	s10 =	sld [smem:$0x3F9D]  }
0x39: {  	_ = 	snop;
	(pc) =	sbr.ind lr, $3  }
0x3a: {  	_ = 	snop  }
0x3b: {  	_ = 	snop  }
0x3c: {  	p2 =	seq.s32 s10, $0x1;
	s10 =	sld [smem:$0x3F9C]  }
0x3d: {  	_ =	shalt  }
0x3e: {  	_ =	shalt  }
0x3f: {  	_ =	shalt  }
0x40: {  	_ =	shalt  }
0x41: {  	_ =	shalt  }
0x42: {  	_ =	shalt  }
0x43: {  	_ =	shalt  }
0x44: {  	_ =	shalt  }
0x45: {  	_ =	shalt  }
0x46: {  	_ =	shalt  }
0x47: {  	_ =	shalt  }
0x48: {  	_ =	shalt  }
0x49: {  	_ =	shalt  }
0x4a: {  	_ =	shalt  }
0x4b: {  	_ =	shalt  }
0x4c: {  	_ =	shalt  }
0x4d: {  	_ =	shalt  }
0x4e: {  	_ =	shalt  }
0x4f: {  	_ =	shalt  }
0x50: {  	_ =	shalt  }
0x51: {  	_ =	shalt  }
0x52: {  	_ =	shalt  }
0x53: {  	_ =	shalt  }
0x54: {  	_ =	shalt  }
0x55: {  	_ =	shalt  }
0x56: {  	_ =	shalt  }
0x57: {  	_ =	shalt  }
0x58: {  	_ =	shalt  }
0x59: {  	_ =	shalt  }
0x5a: {  	_ =	shalt  }
0x5b: {  	_ =	shalt  }
0x5c: {  	_ =	shalt  }
0x5d: {  	_ =	shalt  }
0x5e: {  	_ =	shalt  }
0x5f: {  	_ =	shalt  }
0x60: {  	_ =	shalt  }
0x61: {  	_ =	shalt  }
0x62: {  	_ =	shalt  }
0x63: {  	_ =	shalt  }
0x64: {  	_ =	shalt  }
0x65: {  	_ =	shalt  }
0x66: {  	_ =	shalt  }
0x67: {  	_ =	shalt  }
0x68: {  	_ =	shalt  }
0x69: {  	_ =	shalt  }
0x6a: {  	_ =	shalt  }
0x6b: {  	_ =	shalt  }
0x6c: {  	_ =	shalt  }
0x6d: {  	_ =	shalt  }
0x6e: {  	_ =	shalt  }
0x6f: {  	_ =	shalt  }
0x70: {  	_ =	shalt  }
0x71: {  	_ =	shalt  }
0x72: {  	_ =	shalt  }
0x73: {  	_ =	shalt  }
0x74: {  	_ =	shalt  }
0x75: {  	_ =	shalt  }
0x76: {  	_ =	shalt  }
0x77: {  	_ =	shalt  }
0x78: {  	_ =	shalt  }
0x79: {  	_ =	shalt  }
0x7a: {  	_ =	shalt  }
0x7b: {  	_ =	shalt  }
0x7c: {  	_ =	shalt  }
0x7d: {  	_ =	shalt  }
0x7e: {  	_ =	shalt  }
0x7f: {  	_ =	shalt  }
0x80: {  	_ =	shalt  }
0x81: {  	_ =	shalt  }
0x82: {  	_ =	shalt  }
0x83: {  	_ =	shalt  }
0x84: {  	_ =	shalt  }
0x85: {  	_ =	shalt  }
0x86: {  	_ =	shalt  }
0x87: {  	_ =	shalt  }
.Lfunc_end0:
.L_simem_size_0:
called_computation_lowered:
.L_overlay_start_0:
0x88: {  	s2 =	sld [smem:$0x3FD9]  }
0x89: {  	s3 =	sld [smem:$0x3FFE];
	_ =	sdelay $0x1  }
0x8a: {  	s1 =	srdreg.scid  }
0x8b: {  	s0 =	sand.u32 $0x1, s1  }
0x8c: {  	s17 =	sshll.u32 s0, $0xA;
	s2 =	sadd.s32 s3, s2  }
0x8d: {  	s2 =	sadd.s32 s2, s17  }
0x8e: {  	[smem:$0x3FA8] =	sst s2  }
0x8f: {  	_ = 	snop  }
0x90: {  	s2 =	sld [smem:$0x3FD0];
	(tm) =	ssettm $0x1  }
0x91: {  	s18 =	sld [smem:$0x3FFB];
	_ =	sdelay $0x3  }
0x92: {  	_ =	strace s18  }
0x93: {  	s3 =	sld [smem:$0x3FFC];
	_ =	sdelay $0x3  }
0x94: {  	_ =	strace s3  }
0x95: {  	s3 =	sld [smem:$0x3FFD];
	_ =	sdelay $0x3  }
0x96: {  	_ =	strace s3  }
0x97: {  	_ =	strace $0x8FFFFFFF  }
0x98: {  	s19 =	sld [smem:$0x3FDB];
	_ =	sdelay $0x1  }
0x99: {  	s4 =	simm.s32 $_scs_section_size  }
0x9a: {  	s5 =	simm.s32 $_size__tile_overlayer_lowered;
	s6 =	simm.s32 $_tile_overlayer_lowered  }
0x9b: {  	s22 =	simm.s32 $0x1BFF;
	s21 =	sshll.u32 s6, $0x1;
	s3 =	sadd.s32 s4, s19  }
0x9c: {  	s7 =	simm.s32 $0x0;
	s20 =	sshll.u32 s5, $0x1;
	s5 =	sadd.s32 s21, s3  }
0x9d: {  	[timem:s7], [sflag:s22] =	dma.local [hbm:s5], s20  }
0x9e: {  	_ =	swait.ge [sflag:s22], s20  }
0x9f: {  	s4 =	ssub.s32 $0x0, s20;
	[sflag:s22] =	ssyncset.done $0x0  }
0xa0: {  	[sflag:s22] =	ssyncadd.s32 s4;
	_ =	sdelay $0x1  }
0xa1: {  	s23 =	simm.s32 $0x1B8B  }
0xa2: {  	_ =	swait.ge [sflag:s23], $0x1  }
0xa3: {  	[sflag:s23] =	ssyncset.done $0x0  }
0xa4: {  	s25 =	simm.s32 $0x1B8E;
	s24 =	sld [smem:$0x3FFE];
	[sflag:s23] =	ssyncadd.s32 $0xFFFFFFFF  }
0xa5: {  	s26 =	simm.s32 $execute0_lowered;
	[smem:$0x3FD2] =	sst s25  }
0xa6: {  	s5 =	sshll.u32 s26, $0x1;
	_ =	strace $0x80000046;
	[dreg:$0x1] =	wrdreg $0xFFFFFFFF  }
0xa7: {  	s28 =	simm.s32 $_size_execute0_lowered;
	s3 =	sadd.s32 s3, s5;
	[dreg:$0x0] =	wrdreg $0x0  }
0xa8: {  	s5 =	sshll.u32 s28, $0x1;
	[dreg:$0x2] =	wrdreg s3  }
0xa9: {  	[dreg:$0x3] =	wrdreg s5  }
0xaa: {  	[dreg:$0x4] =	wrdreg $0xC0  }
0xab: {  	_ =	task [dreg:s7], $0x5FFFF  }
0xac: {  	[dreg:$0x1] =	wrdreg $0xFFFFFFFF  }
0xad: {  	[dreg:$0x0] =	wrdreg $0x60  }
0xae: {  	[dreg:$0x2] =	wrdreg s2  }
0xaf: {  	[dreg:$0x3] =	wrdreg s24  }
0xb0: {  	[dreg:$0x4] =	wrdreg $0x9  }
0xb1: {  	_ =	task.clear_ibuf [dreg:s7], $0x5FFFF;
	_ =	strace $0x90000046  }
0xb2: {  	s29 =	simm.s32 $0x9;
	_ =	strace $0x80000048  }
0xb3: {  	_ =	swait.ge [sflag:s29], $0x1  }
0xb4: {  	[sflag:s29] =	ssyncadd.s32 $0xFFFFFFFF  }
0xb5: {  	_ =	strace $0x90000048  }
0xb6: {  	_ =	sfence  }
0xb7: {  	s30 =	sld [smem:$0x0];
	_ =	sdelay $0x2  }
0xb8: {  	s31 =	sshll.u32 s1, $0xD;
	s1 =	sshrl.u32 s1, $0x2  }
0xb9: {  	s3 =	sand.u32 $0x4000, s31;
	s1 =	sadd.s32 s1, s30  }
0xba: {  	s0 =	sor.u32 s3, s0;
	s1 =	sshll.u32 s1, $0x11  }
0xbb: {  	s0 =	sor.u32 s1, s0  }
0xbc: {  	s0 =	sadd.s32 $0x8F2B, s0  }
0xbd: {  	[sflag:s0] =	ssyncadd.remote.s32 $0x1  }
0xbe: {  	_ =	sfence.sel $0xFFFF  }
0xbf: {  	[dreg:$0x0] =	wrdreg $0xFFFFFFFF;
	(pc) =	sbr.abs _section_cstart, $3  }
0xc0: {  	[dreg:$0x1] =	wrdreg $0xFFFFFFFF  }
0xc1: {  	_ =	task.clear_ibuf [dreg:s7], $0x2FFFF;
	_ =	strace $0x9FFFFFFF  }
0xc2: {  	(tm) =	ssettm $0x7FFFFFFF  }
0xc3: {  	_ =	shalt  }
tec
execute0_lowered:
.L_overlay_start_1:
0x0: {  	(tag) =	ssettag $0x1  }
0x1: {  	s1 =	rddreg [dreg:$0x0]  }
0x2: {  	s4 =	rddreg [dreg:$0x1]  }
0x3: {  	s0 =	rddreg [dreg:$0x2];
	s5 =	srdreg.scid  }
0x4: {  	s3 =	simm.s32 $0x0;
	s2 =	stileid.u32;
	s10 =	simm.s32 $0x0  }
0x5: {  	s5 =	sand.u32 $0x1, s5;
	[smem:$0x7FF] =	sst s3;
	s6 =	sshll.u32 s2, $0xF  }
0x6: {  	s8 =	sshll.u32 s2, $0x10;
	s7 =	sshll.u32 s5, $0xE;
	_ =	strace $0x80000047  }
0x7: {  	s31 =	ssub.s32 $0x2, s5;
	s8 =	sadd.s32 s8, s4;
	s5 =	sshll.u32 s5, $0xF  }
0x8: {  	s6 =	sor.u32 s7, s6;
	s9 =	sshrl.u32 s31, $0x1;
	s5 =	sadd.s32 s5, s8  }
0x9: {  	s8 =	simm.s32 $0x800;
	s6 =	sshrl.u32 s6, $0x3;
	s7 =	ssub.s32 s31, s9  }
0xa: {  	s5 =	sadd.s32 $0x218600, s5;
	s9 =	simm.s32 $0x1;
	s6 =	sadd.s32 s6, s4  }
0xb: {  	s4 =	smax.u32 s7, $0x1;
	s7 =	simm.s32 $0x2;
	s6 =	sadd.s32 $0x208600, s6  }
.LBB2_1:
0xc: {  	s11 =	sadd.s32 $0x0, s6  }
0xd: {  	[tilespmem:s3], [sflag:$0x2] =	stream.linear.gather [hbm4b:s11+s3], $0x800, $0x38;
	[tilespmem:$0x8800] =	vst v63  }
0xe: {  	_ =	swait.ge [sflag:s7], $0x800  }
0xf: {  	[sflag:s7] =	ssyncset.done $0x0  }
0x10: {  	[sflag:s7] =	ssyncadd.s32 $0xFFFFF800  }
0x11: {  	[tilespmem:s8], [sflag:$0x1] =	stream.indirect.gather [hbm4b:s1+s8], $0x10, s3, s8, $0xb8;
	[tilespmem:$0x8800] =	vst v63  }
0x12: {  	_ =	swait.ge [sflag:s9], $0x8000  }
0x13: {  	[sflag:s9] =	ssyncset.done $0x0  }
0x14: {  	[sflag:s9] =	ssyncadd.s32 $0xFFFF8000  }
0x15: {  	[hbm4b:s5+s3] =	stream.linear.scatter [tilespmem:s8], [sflag:$0x2], $0x8000, $0x38;
	[tilespmem:$0x8800] =	vst v63  }
0x16: {  	s12 =	simm.s32 $0x100;
	_ =	swait.ge [sflag:s7], $0x8000  }
0x17: {  	s13 =	simm.s32 $0x200;
	s11 =	sadd.s32 $0x1000, s5;
	[sflag:s7] =	ssyncset.done $0x0  }
.LBB2_2:
0x18: {  	s14 =	sadd.s32 s12, s6  }
0x19: {  	[sflag:s7] =	ssyncadd.s32 $0xFFFF8000;
	s12 =	smov.u32 s13;
	s15 =	sadd.s32 $0x100, s13  }
0x1a: {  	[tilespmem:s3], [sflag:$0x2] =	stream.linear.gather [hbm4b:s14+s3], $0x800, $0x38;
	[tilespmem:$0x8800] =	vst v63  }
0x1b: {  	p0 =	sne.s32 s13, $0x700;
	_ =	swait.ge [sflag:s7], $0x800  }
0x1c: {  	[sflag:s7] =	ssyncset.done $0x0  }
0x1d: {  	[sflag:s7] =	ssyncadd.s32 $0xFFFFF800  }
0x1e: {  	[tilespmem:s8], [sflag:$0x1] =	stream.indirect.gather [hbm4b:s1+s8], $0x10, s3, s8, $0xb8;
	[tilespmem:$0x8800] =	vst v63  }
0x1f: {  	_ =	swait.ge [sflag:s9], $0x8000  }
.Ltmp0:
0x20: {  	[sflag:s9] =	ssyncset.done $0x0;
	(pc) =	sbr.rel @p0 .LBB2_2-.Ltmp0, $4  }
0x21: {  	[sflag:s9] =	ssyncadd.s32 $0xFFFF8000  }
0x22: {  	[hbm4b:s11+s3] =	stream.linear.scatter [tilespmem:s8], [sflag:$0x2], $0x8000, $0x38;
	[tilespmem:$0x8800] =	vst v63  }
0x23: {  	_ =	swait.ge [sflag:s7], $0x8000  }
0x24: {  	s13 =	smov.u32 s15;
	s11 =	sadd.s32 $0x1000, s11;
	[sflag:s7] =	ssyncset.done $0x0  }
0x25: {  	s12 =	sadd.s32 s12, s6;
	[sflag:s7] =	ssyncadd.s32 $0xFFFF8000  }
0x26: {  	[tilespmem:s3], [sflag:$0x2] =	stream.linear.gather [hbm4b:s12+s3], $0x800, $0x38;
	[tilespmem:$0x8800] =	vst v63  }
0x27: {  	_ =	swait.ge [sflag:s7], $0x800  }
0x28: {  	[sflag:s7] =	ssyncset.done $0x0  }
0x29: {  	[sflag:s7] =	ssyncadd.s32 $0xFFFFF800  }
0x2a: {  	[tilespmem:s8], [sflag:$0x1] =	stream.indirect.gather [hbm4b:s1+s8], $0x10, s3, s8, $0xb8;
	[tilespmem:$0x8800] =	vst v63  }
0x2b: {  	s10 =	sadd.s32 $0x1, s10;
	_ =	swait.ge [sflag:s9], $0x8000  }
0x2c: {  	p0 =	sne.s32 s10, s4;
	[sflag:s9] =	ssyncset.done $0x0  }
.Ltmp1:
0x2d: {  	[sflag:s9] =	ssyncadd.s32 $0xFFFF8000;
	(pc) =	sbr.rel @p0 .LBB2_1-.Ltmp1, $4  }
0x2e: {  	[hbm4b:s11+s3] =	stream.linear.scatter [tilespmem:s8], [sflag:$0x2], $0x8000, $0x38;
	[tilespmem:$0x8800] =	vst v63  }
0x2f: {  	_ =	swait.ge [sflag:s7], $0x8000  }
0x30: {  	[sflag:s7] =	ssyncset.done $0x0  }
0x31: {  	[sflag:s7] =	ssyncadd.s32 $0xFFFF8000  }
0x32: {  	_ =	sfence.sel $0x180000  }
0x33: {  	[bflag:$0x0] =	sbarrier.arrive $0xFFFF  }
0x34: {  	p0 =	sne.s32 s2, $0x0;
	_ =	strace $0x90000047  }
0x35: {  	s0 =	sadd.s32 @!p0 $0x100000, s0;
	[bflag:$0x2] =	sbarrier.arrive $0xFFFF  }
0x36: {  	[sflag:s0] =	ssyncadd.tile.s32 @!p0 $0x1;
	_ =	shalt  }
.Lfunc_end2:
_tile_overlayer_lowered:
.L_overlay_start_2:
0x37: {  	(tag) =	ssettag $0x2  }
0x38: {  	s0 =	rddreg [dreg:$0x0];
	s2 =	stileid.u32  }
0x39: {  	s1 =	rddreg [dreg:$0x1];
	p0 =	sne.s32 s2, $0x0  }
0x3a: {  	s3 =	rddreg [dreg:$0x2];
	[bflag:$0x3] =	sbarrier.arrive $0xFFFF;
	s2 =	simm.s32 @!p0 $0x1C02  }
0x3b: {  	[timem:s3], [sflag:s2] =	dma.local @!p0 [hbm:s0], s1  }
0x3c: {  	s0 =	simm.s32 @!p0 $0x2  }
0x3d: {  	_ =	swait.ge @!p0 [sflag:s0], s1  }
0x3e: {  	s1 =	ssub.s32 @!p0 $0x0, s1;
	[sflag:s0] =	ssyncset.done @!p0 $0x0  }
0x3f: {  	[sflag:s0] =	ssyncadd.s32 @!p0 s1  }
0x40: {  	[bflag:$0x3] =	sbarrier.arrive $0xFFFF  }
0x41: {  	_ =	shalt  }

// kernel: kernel.16.cloned.1.call-start
scs
__scs_entry_jumppad:
0x0: {  	(pc) =	sbr.rel $0x88, $3  }
0x1: {  	(tag) =	ssettag $0x0;
	lr =	simm.s32 $0x1  }
0x2: {  	[smem:$0x3F81] =	sst lr;
	_ =	strace $0xD0000000  }
0x3: {  	_ = 	snop  }
0x4: {  	_ = 	snop  }
0x5: {  	_ = 	snop  }
0x6: {  	_ = 	snop  }
0x7: {  	_ = 	snop  }
__scs_overlays_trampoline_lowered:
0x8: {  	[smem:$0x3F90] =	sst s0  }
0x9: {  	[smem:$0x3F91] =	sst s1  }
0xa: {  	[smem:$0x3F92] =	sst s2  }
0xb: {  	[smem:$0x3F93] =	sst s3  }
0xc: {  	[smem:$0x3F94] =	sst s4  }
0xd: {  	[smem:$0x3F95] =	sst s5  }
0xe: {  	[smem:$0x3F96] =	sst s6  }
0xf: {  	[smem:$0x3F97] =	sst s7  }
0x10: {  	[smem:$0x3F98] =	sst s8  }
0x11: {  	[smem:$0x3F99] =	sst s9;
	s0 =	simm.s32 @!p0 $0x0  }
0x12: {  	s1 =	sld [smem:$0x3F7F];
	s0 =	simm.s32 @p0 $0x1  }
0x13: {  	[smem:$0x3F9A] =	sst s0;
	s0 =	simm.s32 @!p1 $0x0  }
0x14: {  	s2 =	sld [smem:$0x3F7E];
	s0 =	simm.s32 @p1 $0x1  }
0x15: {  	[smem:$0x3F9B] =	sst s0;
	s0 =	simm.s32 @!p2 $0x0  }
0x16: {  	s3 =	sld [smem:$0x3FDB];
	s0 =	simm.s32 @p2 $0x1  }
0x17: {  	s4 =	simm.s32 $0x1BF5;
	[smem:$0x3F9D] =	sst s0  }
0x18: {  	s0 =	sld [smem:$0x3F80];
	_ =	swait.ge [sflag:s4], $0x0  }
0x19: {  	s7 =	sld [smem:$0x3F81]  }
0x1a: {  	s8 =	sadd.s32 $0xFFFFE003, lr  }
0x1b: {  	s9 =	sadd.s32 $0xFFFFFEF7, lr;
	s5 =	simm.s32 $0xFFFFFFFF;
	p2 =	slt.u32 s8, $0xFFFFF086  }
0x1c: {  	p1 =	slt.u32 s9, $0xF7A;
	s5 =	simm.s32 @!p2 $0x0  }
0x1d: {  	s5 =	simm.s32 @p1 $0x1;
	p0 =	seq.s32 s7, s2  }
0x1e: {  	s7 =	smul.u32 @!p0 $0xF7A, s2;
	p2 =	seq.s32 @!p0 s5, $0x0  }
0x1f: {  	s9 =	smul.u32 $0xF7A, s1;
	s8 =	simm.s32 @!p0 $0x1BF5;
	p2 =	por !p2, p0  }
0x20: {  	[sflag:s8] =	ssyncset.s32 @!p0 $0xFFFFF086;
	s6 =	sadd.s32 @!p0 s3, s7;
	s7 =	simm.s32 @!p0 $0x108  }
0x21: {  	s3 =	sadd.s32 s3, s9;
	s6 =	sadd.s32 @!p0 $0x88, s6;
	s7 =	simm.s32 @p2 $0x1082  }
0x22: {  	[simem:s7], [sflag:s8] =	dma.local @!p0 [hbm:s6], $0xF7A  }
0x23: {  	s9 =	sor.u32 $0xD0000000, s2;
	s6 =	simm.s32 $0x108;
	_ =	swait.ge @!p0 [sflag:s8], $0x0  }
0x24: {  	s3 =	sadd.s32 $0x88, s3;
	s6 =	simm.s32 @!p1 $0x1082;
	[sflag:s4] =	ssyncset.s32 $0xFFFFF086  }
0x25: {  	[simem:s6], [sflag:s4] =	dma.local [hbm:s3], $0xF7A  }
0x26: {  	[smem:$0x3F81] =	sst s1;
	(tag) =	ssettag s2;
	_ =	strace s9  }
0x27: {  	s1 =	sld [smem:$0x3F91]  }
0x28: {  	s2 =	sld [smem:$0x3F92]  }
0x29: {  	s4 =	sld [smem:$0x3F94]  }
0x2a: {  	p0 =	seq.s32 s5, $0x0;
	s5 =	sld [smem:$0x3F95]  }
0x2b: {  	s6 =	sld [smem:$0x3F96]  }
0x2c: {  	s7 =	sld [smem:$0x3F97]  }
0x2d: {  	s3 =	simm.s32 $0x108;
	s8 =	sld [smem:$0x3F98]  }
0x2e: {  	s3 =	simm.s32 @!p0 $0x1082;
	s9 =	sld [smem:$0x3F99]  }
0x2f: {  	lr =	sadd.s32 s0, s3;
	s0 =	sld [smem:$0x3F90]  }
0x30: {  	s3 =	sld [smem:$0x3F93]  }
0x31: {  	[smem:$0x3F9C] =	sst s10  }
0x32: {  	s10 =	sld [smem:$0x3F9A];
	_ =	sdelay $0x3  }
0x33: {  	p0 =	seq.s32 s10, $0x1;
	s10 =	sld [smem:$0x3F9C];
	_ =	sdelay $0x3  }
0x34: {  	[smem:$0x3F9C] =	sst s10  }
0x35: {  	s10 =	sld [smem:$0x3F9B];
	_ =	sdelay $0x3  }
0x36: {  	p1 =	seq.s32 s10, $0x1;
	s10 =	sld [smem:$0x3F9C];
	_ =	sdelay $0x3  }
0x37: {  	[smem:$0x3F9C] =	sst s10  }
0x38: {  	s10 =	sld [smem:$0x3F9D]  }
0x39: {  	_ = 	snop;
	(pc) =	sbr.ind lr, $3  }
0x3a: {  	_ = 	snop  }
0x3b: {  	_ = 	snop  }
0x3c: {  	p2 =	seq.s32 s10, $0x1;
	s10 =	sld [smem:$0x3F9C]  }
0x3d: {  	_ =	shalt  }
0x3e: {  	_ =	shalt  }
0x3f: {  	_ =	shalt  }
0x40: {  	_ =	shalt  }
0x41: {  	_ =	shalt  }
0x42: {  	_ =	shalt  }
0x43: {  	_ =	shalt  }
0x44: {  	_ =	shalt  }
0x45: {  	_ =	shalt  }
0x46: {  	_ =	shalt  }
0x47: {  	_ =	shalt  }
0x48: {  	_ =	shalt  }
0x49: {  	_ =	shalt  }
0x4a: {  	_ =	shalt  }
0x4b: {  	_ =	shalt  }
0x4c: {  	_ =	shalt  }
0x4d: {  	_ =	shalt  }
0x4e: {  	_ =	shalt  }
0x4f: {  	_ =	shalt  }
0x50: {  	_ =	shalt  }
0x51: {  	_ =	shalt  }
0x52: {  	_ =	shalt  }
0x53: {  	_ =	shalt  }
0x54: {  	_ =	shalt  }
0x55: {  	_ =	shalt  }
0x56: {  	_ =	shalt  }
0x57: {  	_ =	shalt  }
0x58: {  	_ =	shalt  }
0x59: {  	_ =	shalt  }
0x5a: {  	_ =	shalt  }
0x5b: {  	_ =	shalt  }
0x5c: {  	_ =	shalt  }
0x5d: {  	_ =	shalt  }
0x5e: {  	_ =	shalt  }
0x5f: {  	_ =	shalt  }
0x60: {  	_ =	shalt  }
0x61: {  	_ =	shalt  }
0x62: {  	_ =	shalt  }
0x63: {  	_ =	shalt  }
0x64: {  	_ =	shalt  }
0x65: {  	_ =	shalt  }
0x66: {  	_ =	shalt  }
0x67: {  	_ =	shalt  }
0x68: {  	_ =	shalt  }
0x69: {  	_ =	shalt  }
0x6a: {  	_ =	shalt  }
0x6b: {  	_ =	shalt  }
0x6c: {  	_ =	shalt  }
0x6d: {  	_ =	shalt  }
0x6e: {  	_ =	shalt  }
0x6f: {  	_ =	shalt  }
0x70: {  	_ =	shalt  }
0x71: {  	_ =	shalt  }
0x72: {  	_ =	shalt  }
0x73: {  	_ =	shalt  }
0x74: {  	_ =	shalt  }
0x75: {  	_ =	shalt  }
0x76: {  	_ =	shalt  }
0x77: {  	_ =	shalt  }
0x78: {  	_ =	shalt  }
0x79: {  	_ =	shalt  }
0x7a: {  	_ =	shalt  }
0x7b: {  	_ =	shalt  }
0x7c: {  	_ =	shalt  }
0x7d: {  	_ =	shalt  }
0x7e: {  	_ =	shalt  }
0x7f: {  	_ =	shalt  }
0x80: {  	_ =	shalt  }
0x81: {  	_ =	shalt  }
0x82: {  	_ =	shalt  }
0x83: {  	_ =	shalt  }
0x84: {  	_ =	shalt  }
0x85: {  	_ =	shalt  }
0x86: {  	_ =	shalt  }
0x87: {  	_ =	shalt  }
.Lfunc_end0:
.L_simem_size_0:
called_computation.1_lowered:
.L_overlay_start_0:
0x88: {  	s2 =	sld [smem:$0x3FD9]  }
0x89: {  	s3 =	sld [smem:$0x3FFE];
	_ =	sdelay $0x1  }
0x8a: {  	s1 =	srdreg.scid  }
0x8b: {  	s0 =	sand.u32 $0x1, s1  }
0x8c: {  	s17 =	sshll.u32 s0, $0xA;
	s2 =	sadd.s32 s3, s2  }
0x8d: {  	s2 =	sadd.s32 s2, s17  }
0x8e: {  	[smem:$0x3FA8] =	sst s2  }
0x8f: {  	_ = 	snop  }
0x90: {  	s2 =	sld [smem:$0x3FD0];
	(tm) =	ssettm $0x1  }
0x91: {  	s18 =	sld [smem:$0x3FFB];
	_ =	sdelay $0x3  }
0x92: {  	_ =	strace s18  }
0x93: {  	s3 =	sld [smem:$0x3FFC];
	_ =	sdelay $0x3  }
0x94: {  	_ =	strace s3  }
0x95: {  	s3 =	sld [smem:$0x3FFD];
	_ =	sdelay $0x3  }
0x96: {  	_ =	strace s3  }
0x97: {  	_ =	strace $0x8FFFFFFF  }
0x98: {  	s19 =	sld [smem:$0x3FDB];
	_ =	sdelay $0x1  }
0x99: {  	s4 =	simm.s32 $_scs_section_size  }
0x9a: {  	s5 =	simm.s32 $_size__tile_overlayer_lowered;
	s6 =	simm.s32 $_tile_overlayer_lowered  }
0x9b: {  	s22 =	simm.s32 $0x1BFF;
	s21 =	sshll.u32 s6, $0x1;
	s3 =	sadd.s32 s4, s19  }
0x9c: {  	s7 =	simm.s32 $0x0;
	s20 =	sshll.u32 s5, $0x1;
	s5 =	sadd.s32 s21, s3  }
0x9d: {  	[timem:s7], [sflag:s22] =	dma.local [hbm:s5], s20  }
0x9e: {  	_ =	swait.ge [sflag:s22], s20  }
0x9f: {  	s4 =	ssub.s32 $0x0, s20;
	[sflag:s22] =	ssyncset.done $0x0  }
0xa0: {  	[sflag:s22] =	ssyncadd.s32 s4;
	_ =	sdelay $0x1  }
0xa1: {  	s23 =	simm.s32 $0x1B8B  }
0xa2: {  	_ =	swait.ge [sflag:s23], $0x1  }
0xa3: {  	[sflag:s23] =	ssyncset.done $0x0  }
0xa4: {  	s25 =	simm.s32 $0x1B8E;
	s24 =	sld [smem:$0x3FFE];
	[sflag:s23] =	ssyncadd.s32 $0xFFFFFFFF  }
0xa5: {  	s26 =	simm.s32 $execute0_lowered;
	[smem:$0x3FD2] =	sst s25  }
0xa6: {  	s5 =	sshll.u32 s26, $0x1;
	_ =	strace $0x80000049;
	[dreg:$0x1] =	wrdreg $0xFFFFFFFF  }
0xa7: {  	s28 =	simm.s32 $_size_execute0_lowered;
	s3 =	sadd.s32 s3, s5;
	[dreg:$0x0] =	wrdreg $0x0  }
0xa8: {  	s5 =	sshll.u32 s28, $0x1;
	[dreg:$0x2] =	wrdreg s3  }
0xa9: {  	[dreg:$0x3] =	wrdreg s5  }
0xaa: {  	[dreg:$0x4] =	wrdreg $0xC0  }
0xab: {  	_ =	task [dreg:s7], $0x5FFFF  }
0xac: {  	[dreg:$0x1] =	wrdreg $0xFFFFFFFF  }
0xad: {  	[dreg:$0x0] =	wrdreg $0x60  }
0xae: {  	[dreg:$0x2] =	wrdreg s2  }
0xaf: {  	[dreg:$0x3] =	wrdreg s24  }
0xb0: {  	[dreg:$0x4] =	wrdreg $0x9  }
0xb1: {  	_ =	task.clear_ibuf [dreg:s7], $0x5FFFF;
	_ =	strace $0x90000049  }
0xb2: {  	s29 =	simm.s32 $0x9;
	_ =	strace $0x8000004B  }
0xb3: {  	_ =	swait.ge [sflag:s29], $0x1  }
0xb4: {  	[sflag:s29] =	ssyncadd.s32 $0xFFFFFFFF  }
0xb5: {  	_ =	strace $0x9000004B  }
0xb6: {  	_ =	sfence  }
0xb7: {  	s30 =	sld [smem:$0x0];
	_ =	sdelay $0x2  }
0xb8: {  	s31 =	sshll.u32 s1, $0xD;
	s1 =	sshrl.u32 s1, $0x2  }
0xb9: {  	s3 =	sand.u32 $0x4000, s31;
	s1 =	sadd.s32 s1, s30  }
0xba: {  	s0 =	sor.u32 s3, s0;
	s1 =	sshll.u32 s1, $0x11  }
0xbb: {  	s0 =	sor.u32 s1, s0  }
0xbc: {  	s0 =	sadd.s32 $0x8F2B, s0  }
0xbd: {  	[sflag:s0] =	ssyncadd.remote.s32 $0x1  }
0xbe: {  	_ =	sfence.sel $0xFFFF  }
0xbf: {  	[dreg:$0x0] =	wrdreg $0xFFFFFFFF;
	(pc) =	sbr.abs _section_cstart, $3  }
0xc0: {  	[dreg:$0x1] =	wrdreg $0xFFFFFFFF  }
0xc1: {  	_ =	task.clear_ibuf [dreg:s7], $0x2FFFF;
	_ =	strace $0x9FFFFFFF  }
0xc2: {  	(tm) =	ssettm $0x7FFFFFFF  }
0xc3: {  	_ =	shalt  }
tec
execute0_lowered:
.L_overlay_start_1:
0x0: {  	(tag) =	ssettag $0x1  }
0x1: {  	s1 =	rddreg [dreg:$0x0]  }
0x2: {  	s4 =	rddreg [dreg:$0x1]  }
0x3: {  	s0 =	rddreg [dreg:$0x2];
	s5 =	srdreg.scid  }
0x4: {  	s3 =	simm.s32 $0x0;
	s2 =	stileid.u32;
	s10 =	simm.s32 $0x0  }
0x5: {  	s5 =	sand.u32 $0x1, s5;
	[smem:$0x7FF] =	sst s3;
	s6 =	sshll.u32 s2, $0xF  }
0x6: {  	s8 =	sshll.u32 s2, $0x10;
	s7 =	sshll.u32 s5, $0xE;
	_ =	strace $0x8000004A  }
0x7: {  	s31 =	ssub.s32 $0x2, s5;
	s8 =	sadd.s32 s8, s4;
	s5 =	sshll.u32 s5, $0xF  }
0x8: {  	s6 =	sor.u32 s7, s6;
	s9 =	sshrl.u32 s31, $0x1;
	s5 =	sadd.s32 s5, s8  }
0x9: {  	s8 =	simm.s32 $0x800;
	s6 =	sshrl.u32 s6, $0x3;
	s7 =	ssub.s32 s31, s9  }
0xa: {  	s5 =	sadd.s32 $0x298600, s5;
	s9 =	simm.s32 $0x1;
	s6 =	sadd.s32 s6, s4  }
0xb: {  	s4 =	smax.u32 s7, $0x1;
	s7 =	simm.s32 $0x2;
	s6 =	sadd.s32 $0x208600, s6  }
.LBB2_1:
0xc: {  	s11 =	sadd.s32 $0x0, s6  }
0xd: {  	[tilespmem:s3], [sflag:$0x2] =	stream.linear.gather [hbm4b:s11+s3], $0x800, $0x38;
	[tilespmem:$0x8800] =	vst v63  }
0xe: {  	_ =	swait.ge [sflag:s7], $0x800  }
0xf: {  	[sflag:s7] =	ssyncset.done $0x0  }
0x10: {  	[sflag:s7] =	ssyncadd.s32 $0xFFFFF800  }
0x11: {  	[tilespmem:s8], [sflag:$0x1] =	stream.indirect.gather [hbm4b:s1+s8], $0x10, s3, s8, $0xb8;
	[tilespmem:$0x8800] =	vst v63  }
0x12: {  	_ =	swait.ge [sflag:s9], $0x8000  }
0x13: {  	[sflag:s9] =	ssyncset.done $0x0  }
0x14: {  	[sflag:s9] =	ssyncadd.s32 $0xFFFF8000  }
0x15: {  	[hbm4b:s5+s3] =	stream.linear.scatter [tilespmem:s8], [sflag:$0x2], $0x8000, $0x38;
	[tilespmem:$0x8800] =	vst v63  }
0x16: {  	s12 =	simm.s32 $0x100;
	_ =	swait.ge [sflag:s7], $0x8000  }
0x17: {  	s13 =	simm.s32 $0x200;
	s11 =	sadd.s32 $0x1000, s5;
	[sflag:s7] =	ssyncset.done $0x0  }
.LBB2_2:
0x18: {  	s14 =	sadd.s32 s12, s6  }
0x19: {  	[sflag:s7] =	ssyncadd.s32 $0xFFFF8000;
	s12 =	smov.u32 s13;
	s15 =	sadd.s32 $0x100, s13  }
0x1a: {  	[tilespmem:s3], [sflag:$0x2] =	stream.linear.gather [hbm4b:s14+s3], $0x800, $0x38;
	[tilespmem:$0x8800] =	vst v63  }
0x1b: {  	p0 =	sne.s32 s13, $0x700;
	_ =	swait.ge [sflag:s7], $0x800  }
0x1c: {  	[sflag:s7] =	ssyncset.done $0x0  }
0x1d: {  	[sflag:s7] =	ssyncadd.s32 $0xFFFFF800  }
0x1e: {  	[tilespmem:s8], [sflag:$0x1] =	stream.indirect.gather [hbm4b:s1+s8], $0x10, s3, s8, $0xb8;
	[tilespmem:$0x8800] =	vst v63  }
0x1f: {  	_ =	swait.ge [sflag:s9], $0x8000  }
.Ltmp0:
0x20: {  	[sflag:s9] =	ssyncset.done $0x0;
	(pc) =	sbr.rel @p0 .LBB2_2-.Ltmp0, $4  }
0x21: {  	[sflag:s9] =	ssyncadd.s32 $0xFFFF8000  }
0x22: {  	[hbm4b:s11+s3] =	stream.linear.scatter [tilespmem:s8], [sflag:$0x2], $0x8000, $0x38;
	[tilespmem:$0x8800] =	vst v63  }
0x23: {  	_ =	swait.ge [sflag:s7], $0x8000  }
0x24: {  	s13 =	smov.u32 s15;
	s11 =	sadd.s32 $0x1000, s11;
	[sflag:s7] =	ssyncset.done $0x0  }
0x25: {  	s12 =	sadd.s32 s12, s6;
	[sflag:s7] =	ssyncadd.s32 $0xFFFF8000  }
0x26: {  	[tilespmem:s3], [sflag:$0x2] =	stream.linear.gather [hbm4b:s12+s3], $0x800, $0x38;
	[tilespmem:$0x8800] =	vst v63  }
0x27: {  	_ =	swait.ge [sflag:s7], $0x800  }
0x28: {  	[sflag:s7] =	ssyncset.done $0x0  }
0x29: {  	[sflag:s7] =	ssyncadd.s32 $0xFFFFF800  }
0x2a: {  	[tilespmem:s8], [sflag:$0x1] =	stream.indirect.gather [hbm4b:s1+s8], $0x10, s3, s8, $0xb8;
	[tilespmem:$0x8800] =	vst v63  }
0x2b: {  	s10 =	sadd.s32 $0x1, s10;
	_ =	swait.ge [sflag:s9], $0x8000  }
0x2c: {  	p0 =	sne.s32 s10, s4;
	[sflag:s9] =	ssyncset.done $0x0  }
.Ltmp1:
0x2d: {  	[sflag:s9] =	ssyncadd.s32 $0xFFFF8000;
	(pc) =	sbr.rel @p0 .LBB2_1-.Ltmp1, $4  }
0x2e: {  	[hbm4b:s11+s3] =	stream.linear.scatter [tilespmem:s8], [sflag:$0x2], $0x8000, $0x38;
	[tilespmem:$0x8800] =	vst v63  }
0x2f: {  	_ =	swait.ge [sflag:s7], $0x8000  }
0x30: {  	[sflag:s7] =	ssyncset.done $0x0  }
0x31: {  	[sflag:s7] =	ssyncadd.s32 $0xFFFF8000  }
0x32: {  	_ =	sfence.sel $0x180000  }
0x33: {  	[bflag:$0x0] =	sbarrier.arrive $0xFFFF  }
0x34: {  	p0 =	sne.s32 s2, $0x0;
	_ =	strace $0x9000004A  }
0x35: {  	s0 =	sadd.s32 @!p0 $0x100000, s0;
	[bflag:$0x2] =	sbarrier.arrive $0xFFFF  }
0x36: {  	[sflag:s0] =	ssyncadd.tile.s32 @!p0 $0x1;
	_ =	shalt  }
.Lfunc_end2:
_tile_overlayer_lowered:
.L_overlay_start_2:
0x37: {  	(tag) =	ssettag $0x2  }
0x38: {  	s0 =	rddreg [dreg:$0x0];
	s2 =	stileid.u32  }
0x39: {  	s1 =	rddreg [dreg:$0x1];
	p0 =	sne.s32 s2, $0x0  }
0x3a: {  	s3 =	rddreg [dreg:$0x2];
	[bflag:$0x3] =	sbarrier.arrive $0xFFFF;
	s2 =	simm.s32 @!p0 $0x1C02  }
0x3b: {  	[timem:s3], [sflag:s2] =	dma.local @!p0 [hbm:s0], s1  }
0x3c: {  	s0 =	simm.s32 @!p0 $0x2  }
0x3d: {  	_ =	swait.ge @!p0 [sflag:s0], s1  }
0x3e: {  	s1 =	ssub.s32 @!p0 $0x0, s1;
	[sflag:s0] =	ssyncset.done @!p0 $0x0  }
0x3f: {  	[sflag:s0] =	ssyncadd.s32 @!p0 s1  }
0x40: {  	[bflag:$0x3] =	sbarrier.arrive $0xFFFF  }
0x41: {  	_ =	shalt  }

</sc_bundles>
